<compile_context>
chip_gen: v7x
topology: tpu7x:2x2x1
jax: 0.10.2.dev20260603
libtpu: 0.0.44.dev20260713+nightly
codegen_flags: <defaults>
</compile_context>

<pallas_src>
import dataclasses
import functools

import jax
import jax.numpy as jnp
from jax import lax
from jax.experimental import pallas as pl
from jax.experimental.pallas import tpu as pltpu
from jax.experimental.pallas import tpu_sc as plsc

_B, _F, _V, _D = 16384, 26, 100000, 16
_N = _B * _F
_H1, _H2 = 32, 32
_W = 512
_C = 2048
_R = 1024


def _sc_params():
    cp = pltpu.CompilerParams()
    if "needs_layout_passes" in pltpu.CompilerParams.__dataclass_fields__:
        cp = dataclasses.replace(cp, needs_layout_passes=False)
    return cp


def _mesh():
    return plsc.VectorSubcoreMesh(core_axis_name="core",
                                  subcore_axis_name="subcore")


def _sc_fm_gather(fm128, g_idx, base16):

    @functools.partial(
        pl.kernel,
        compiler_params=_sc_params(),
        out_type=jax.ShapeDtypeStruct((_N * _D // 128, 128), jnp.float32),
        mesh=_mesh(),
        scratch_types=[pltpu.VMEM((_W, 128), jnp.float32)],
    )
    def k(fm_hbm, g_hbm, b_hbm, emb_hbm, rows_v):
        ramp = lax.iota(jnp.int32, 16)

        def body(g_v, b_v, emb_v):
            pltpu.sync_copy(fm_hbm.at[g_v.at[0]], rows_v)

            @pl.loop(0, _W // 16)
            def _(t):
                rows16 = ramp + 16 * t
                bt = b_v[0, pl.ds(16 * t, 16)]
                for d in range(16):
                    vals = plsc.load_gather(rows_v, [rows16, bt + d])
                    p = 256 * t + 16 * ramp + d
                    plsc.store_scatter(
                        emb_v,
                        [lax.shift_right_logical(p, 7), lax.bitwise_and(p, 127)],
                        vals)

        pltpu.emit_pipeline(
            body,
            grid=(_N // _W,),
            in_specs=[
                pl.BlockSpec((1, _W), lambda i: (0, i)),
                pl.BlockSpec((1, _W), lambda i: (0, i)),
            ],
            out_specs=[
                pl.BlockSpec((_W * _D // 128, 128), lambda i: (i, 0)),
            ],
            core_axis_name=("core", "subcore"),
            dimension_semantics=(pltpu.PARALLEL,),
        )(g_hbm, b_hbm, emb_hbm)

    return k(fm128, g_idx, base16)


def _sc_linear(lin_flat, idxT):

    @functools.partial(
        pl.kernel,
        compiler_params=_sc_params(),
        out_type=jax.ShapeDtypeStruct((_F * _B,), jnp.float32),
        mesh=_mesh(),
        scratch_types=[
            pltpu.VMEM((_V,), jnp.float32),
            pltpu.VMEM((_C,), jnp.int32),
            pltpu.VMEM((_C,), jnp.float32),
        ],
    )
    def k(tab_hbm, idx_hbm, out_hbm, tab_v, idx_v, val_v):
        ramp = lax.iota(jnp.int32, 16)
        w = lax.axis_index("core") * 16 + lax.axis_index("subcore")

        @pl.when(w < _F)
        def _():
            pltpu.sync_copy(tab_hbm.at[pl.ds(w * _V, _V)], tab_v)

            @pl.loop(0, _B // _C)
            def _(c):
                pltpu.sync_copy(idx_hbm.at[pl.ds(w * _B + c * _C, _C)], idx_v)

                @pl.loop(0, _C // 16)
                def _(t):
                    iv = idx_v[pl.ds(16 * t, 16)]
                    val_v[pl.ds(16 * t, 16)] = plsc.load_gather(tab_v, [iv])

                pltpu.sync_copy(val_v, out_hbm.at[pl.ds(w * _B + c * _C, _C)])

    return k(lin_flat, idxT)


def _tc_body(emb_ref, lin_ref, xv_ref, w1_ref, b1_ref, w2_ref, b2_ref,
             bias_ref, out_ref):
    xv = xv_ref[...]
    e = emb_ref[...] * xv
    h = jnp.dot(e, w1_ref[...], preferred_element_type=jnp.float32)
    h = jnp.maximum(h + b1_ref[...], 0.0)
    h = jnp.dot(h, w2_ref[...], preferred_element_type=jnp.float32)
    h = jnp.maximum(h + b2_ref[...], 0.0)
    deep = jnp.sum(h, axis=1, keepdims=True)

    col = lax.broadcasted_iota(jnp.int32, (_F * _D, _D), 0)
    dd = lax.broadcasted_iota(jnp.int32, (_F * _D, _D), 1)
    a = jnp.where((col % _D) == dd, 1.0, 0.0)
    s = jnp.dot(e, a, preferred_element_type=jnp.float32)
    cross = 0.5 * (jnp.sum(s * s, axis=1, keepdims=True)
                   - jnp.sum(e * e, axis=1, keepdims=True))

    ones = jnp.full((_F, 1), 1.0, dtype=jnp.float32)
    lsum = lax.dot_general(lin_ref[...], ones, (((0,), (0,)), ((), ())),
                           preferred_element_type=jnp.float32)
    out_ref[...] = deep + cross + lsum * xv + bias_ref[...]


def _tc_dense(emb2, linT, xv1, w1, b1, w2, b2, bias):
    return pl.pallas_call(
        _tc_body,
        grid=(_B // _R,),
        in_specs=[
            pl.BlockSpec((_R, _F * _D), lambda i: (i, 0)),
            pl.BlockSpec((_F, _R), lambda i: (0, i)),
            pl.BlockSpec((_R, 1), lambda i: (i, 0)),
            pl.BlockSpec((_F * _D, _H1), lambda i: (0, 0)),
            pl.BlockSpec((1, _H1), lambda i: (0, 0)),
            pl.BlockSpec((_H1, _H2), lambda i: (0, 0)),
            pl.BlockSpec((1, _H2), lambda i: (0, 0)),
            pl.BlockSpec((1, 1), lambda i: (0, 0)),
        ],
        out_specs=pl.BlockSpec((_R, 1), lambda i: (i, 0)),
        out_shape=jax.ShapeDtypeStruct((_B, 1), jnp.float32),
    )(emb2, linT, xv1, w1, b1, w2, b2, bias)


def kernel(Xi, Xv, linear_tables, fm_tables, W1, b1, W2, b2, bias):
    idx = Xi[:, :, 0].astype(jnp.int32)
    offs = (jnp.arange(_F, dtype=jnp.int32) * _V)[None, :]
    fm_idx = idx + offs
    g_idx = (fm_idx // 8).reshape(1, _N)
    base16 = ((fm_idx % 8) * 16).reshape(1, _N)
    idxT = idx.T.reshape(_F * _B)

    fm128 = fm_tables.reshape((_F * _V) // 8, 128)
    lin_flat = linear_tables.reshape(_F * _V)

    embf = _sc_fm_gather(fm128, g_idx, base16)
    linT = _sc_linear(lin_flat, idxT).reshape(_F, _B)

    emb2 = embf.reshape(_B, _F * _D)
    xv1 = Xv[:, 1:2]
    out = _tc_dense(emb2, linT, xv1, W1, b1.reshape(1, _H1), W2,
                    b2.reshape(1, _H2), bias.reshape(1, 1))
    return out[:, 0]

# --- scband reference (transcript-rebuilt; emitter-appended) ---
"""Pipeline reference for scband-deep-fm-62156766707851 (READ-ONLY COPY).

The authoritative reference and input builder live on the scoring server;
editing this copy changes nothing except your own understanding.
"""

import jax, jax.numpy as jnp
import numpy as np

B = 16384
F = 26
V = 100000
D = 16
H1 = 32
H2 = 32

def setup_inputs(seed: int = 0) -> dict:
    key = jax.random.key(seed)
    ks = jax.random.split(key, 9)
    Xi = jax.random.randint(ks[0], (B, F, 1), 0, V)
    Xv = jax.random.uniform(ks[1], (B, F), dtype=jnp.float32)
    linear_tables = jax.random.normal(ks[2], (F, V, 1), dtype=jnp.float32) * 0.01
    fm_tables = jax.random.normal(ks[3], (F, V, D), dtype=jnp.float32) * 0.01
    W1 = jax.random.normal(ks[4], (F * D, H1), dtype=jnp.float32) * 0.05
    b1 = jnp.zeros((H1,), dtype=jnp.float32)
    W2 = jax.random.normal(ks[5], (H1, H2), dtype=jnp.float32) * 0.05
    b2 = jnp.zeros((H2,), dtype=jnp.float32)
    bias = jax.random.normal(ks[6], (1,), dtype=jnp.float32)
    return {"Xi": Xi, "Xv": Xv, "linear_tables": linear_tables, "fm_tables": fm_tables,
            "W1": W1, "b1": b1, "W2": W2, "b2": b2, "bias": bias}

def reference(Xi, Xv, linear_tables, fm_tables, W1, b1, W2, b2, bias):
    # DeepFM forward (use_fm=True, use_deep=True, relu activation)
    xv1 = Xv[:, 1]  # original code multiplies every field by Xv[:, 1]
    linear_parts = []
    fm_parts = []
    for i in range(F):
        idx = Xi[:, i, :]  # [B, 1]
        lin = jnp.sum(jnp.take(linear_tables[i], idx, axis=0), axis=1)  # [B, 1]
        lin = (lin.T * xv1).T
        linear_parts.append(lin)
        emb = jnp.sum(jnp.take(fm_tables[i], idx, axis=0), axis=1)  # [B, D]
        emb = (emb.T * xv1).T
        fm_parts.append(emb)
    linear_part_result = jnp.concatenate(linear_parts, axis=1)  # [B, F]
    fm_sum_cross = sum(fm_parts)  # [B, D]
    sum_of_square = fm_sum_cross * fm_sum_cross
    square_of_sum = sum(p * p for p in fm_parts)
    fm_cross_term_result = 0.5 * (sum_of_square - square_of_sum)  # [B, D]
    deep_part_input = jnp.concatenate(fm_parts, axis=1)  # [B, F*D]
    x = jax.nn.relu(deep_part_input @ W1 + b1)
    x = jax.nn.relu(x @ W2 + b2)
    total = jnp.sum(linear_part_result, axis=1) + jnp.sum(fm_cross_term_result, axis=1) + jnp.sum(x, axis=1) + bias
    return total

if __name__ == "__main__":
    import jax
    _d = setup_inputs()
    print(jax.jit(kernel)(*tuple(_d.values())))

</pallas_src>

<mosaic_0001>
#map = affine_map<(d0, d1) -> (0)>
module attributes {stable_mosaic.version = 14 : i64} {
  func.func @k(%arg0: i32, %arg1: i32, %arg2: memref<2600000xf32, #tpu.memory_space<hbm>>, %arg3: memref<425984xi32, #tpu.memory_space<hbm>>, %arg4: memref<425984xf32, #tpu.memory_space<hbm>>, %arg5: memref<100000xf32, #tpu.memory_space<vmem>>, %arg6: memref<2048xi32, #tpu.memory_space<vmem>>, %arg7: memref<2048xf32, #tpu.memory_space<vmem>>) attributes {dimension_semantics = [#tpu.dimension_semantics<core_parallel>, #tpu.dimension_semantics<subcore_parallel>], iteration_bounds = array<i64: 2, 16>, scalar_prefetch = 0 : i64, scratch_operands = 3 : i64, tpu.core_type = #tpu.core_type<sc_vector_subcore>, window_params = [{transform_indices = #map}, {transform_indices = #map}, {transform_indices = #map}]} {
    %iota3A = tpu.iota {dimensions = array<i32: 0>} : vector<16xi32>
    %mul3A = arith.constant 16 : i32
    %mul3A_0 = arith.muli %arg0, %mul3A : i32
    %add3A = arith.addi %mul3A_0, %arg1 : i32
    %lt3A = arith.constant 26 : i32
    %lt3A_1 = arith.cmpi slt, %add3A, %lt3A : i32
    %convert_element_type3A = arith.extui %lt3A_1 : i1 to i32
    %cond3A = arith.constant 0 : i32
    %cond3A_2 = arith.cmpi ne, %convert_element_type3A, %cond3A : i32
    scf.if %cond3A_2 {
      %mul3A_3 = arith.constant 100000 : i32
      %mul3A_4 = arith.muli %add3A, %mul3A_3 : i32
      "tpu.region"() ({
        %run_scoped3A = tpu.sem_alloc : memref<!tpu.dma_semaphore, #tpu.memory_space<semaphore_mem>>
        %dma_start3A = tpu.memref_slice %arg2[%mul3A_4] : memref<2600000xf32, #tpu.memory_space<hbm>> -> memref<100000xf32, #tpu.memory_space<hbm>>
        %dma_start3A_9 = tpu.memref_slice %arg2[%mul3A_4] : memref<2600000xf32, #tpu.memory_space<hbm>> -> memref<100000xf32, #tpu.memory_space<hbm>>
        tpu.enqueue_dma source(%dma_start3A_9 : memref<100000xf32, #tpu.memory_space<hbm>>) target(%arg5 : memref<100000xf32, #tpu.memory_space<vmem>>) target_semaphore(%run_scoped3A : memref<!tpu.dma_semaphore, #tpu.memory_space<semaphore_mem>>)
        %dma_wait3A = tpu.memref_slice %arg2[%mul3A_4] : memref<2600000xf32, #tpu.memory_space<hbm>> -> memref<100000xf32, #tpu.memory_space<hbm>>
        %dma_wait3A_10 = tpu.memref_slice %arg2[%mul3A_4] : memref<2600000xf32, #tpu.memory_space<hbm>> -> memref<100000xf32, #tpu.memory_space<hbm>>
        tpu.wait_dma2 semaphore(%run_scoped3A : memref<!tpu.dma_semaphore, #tpu.memory_space<semaphore_mem>>) src(%dma_wait3A_10 : memref<100000xf32, #tpu.memory_space<hbm>>) dst(%arg5 : memref<100000xf32, #tpu.memory_space<vmem>>)
        tpu.yield
      }) : () -> ()
      %scan3A = arith.constant 0 : i32
      %scan3A_5 = arith.constant 8 : i32
      %scan3A_6 = arith.addi %scan3A, %scan3A_5 : i32
      %scan3A_7 = arith.constant 1 : i32
      scf.for %scan3A_9 = %scan3A to %scan3A_6 step %scan3A_7  : i32 {
        %mul3A_10 = arith.constant 1 : i32
        %mul3A_11 = arith.muli %scan3A_9, %mul3A_10 : i32
        %add3A_12 = arith.constant 0 : i32
        %add3A_13 = arith.addi %add3A_12, %mul3A_11 : i32
        %mul3A_14 = arith.constant 16384 : i32
        %mul3A_15 = arith.muli %add3A, %mul3A_14 : i32
        %mul3A_16 = arith.constant 2048 : i32
        %mul3A_17 = arith.muli %add3A_13, %mul3A_16 : i32
        %add3A_18 = arith.addi %mul3A_15, %mul3A_17 : i32
        "tpu.region"() ({
          %run_scoped3A = tpu.sem_alloc : memref<!tpu.dma_semaphore, #tpu.memory_space<semaphore_mem>>
          %dma_start3A = tpu.memref_slice %arg3[%add3A_18] : memref<425984xi32, #tpu.memory_space<hbm>> -> memref<2048xi32, #tpu.memory_space<hbm>>
          %dma_start3A_29 = tpu.memref_slice %arg3[%add3A_18] : memref<425984xi32, #tpu.memory_space<hbm>> -> memref<2048xi32, #tpu.memory_space<hbm>>
          tpu.enqueue_dma source(%dma_start3A_29 : memref<2048xi32, #tpu.memory_space<hbm>>) target(%arg6 : memref<2048xi32, #tpu.memory_space<vmem>>) target_semaphore(%run_scoped3A : memref<!tpu.dma_semaphore, #tpu.memory_space<semaphore_mem>>)
          %dma_wait3A = tpu.memref_slice %arg3[%add3A_18] : memref<425984xi32, #tpu.memory_space<hbm>> -> memref<2048xi32, #tpu.memory_space<hbm>>
          %dma_wait3A_30 = tpu.memref_slice %arg3[%add3A_18] : memref<425984xi32, #tpu.memory_space<hbm>> -> memref<2048xi32, #tpu.memory_space<hbm>>
          tpu.wait_dma2 semaphore(%run_scoped3A : memref<!tpu.dma_semaphore, #tpu.memory_space<semaphore_mem>>) src(%dma_wait3A_30 : memref<2048xi32, #tpu.memory_space<hbm>>) dst(%arg6 : memref<2048xi32, #tpu.memory_space<vmem>>)
          tpu.yield
        }) : () -> ()
        %scan3A_19 = arith.constant 0 : i32
        %scan3A_20 = arith.constant 128 : i32
        %scan3A_21 = arith.addi %scan3A_19, %scan3A_20 : i32
        %scan3A_22 = arith.constant 1 : i32
        scf.for %scan3A_29 = %scan3A_19 to %scan3A_21 step %scan3A_22  : i32 {
          %mul3A_30 = arith.constant 1 : i32
          %mul3A_31 = arith.muli %scan3A_29, %mul3A_30 : i32
          %add3A_32 = arith.constant 0 : i32
          %add3A_33 = arith.addi %add3A_32, %mul3A_31 : i32
          %mul3A_34 = arith.constant 16 : i32
          %mul3A_35 = arith.muli %mul3A_34, %add3A_33 : i32
          %get3A = arith.index_cast %mul3A_35 : i32 to index
          %get3A_36 = tpu.vector_load %arg6[%get3A] {strides = array<i32>} : memref<2048xi32, #tpu.memory_space<vmem>>, vector<16xi32>,
          %gather3A = tpu.vector_load_idx %arg5[%get3A_36] : memref<100000xf32, #tpu.memory_space<vmem>>[vector<16xi32>], vector<16xf32>,
          %mul3A_37 = arith.constant 16 : i32
          %mul3A_38 = arith.muli %mul3A_37, %add3A_33 : i32
          %swap3A = arith.index_cast %mul3A_38 : i32 to index
          %swap3A_39 = tpu.vector_load %arg7[%swap3A] {strides = array<i32>} : memref<2048xf32, #tpu.memory_space<vmem>>, vector<16xf32>,
          tpu.vector_store %arg7[%swap3A], %gather3A {strides = array<i32>} : memref<2048xf32, #tpu.memory_space<vmem>>, vector<16xf32>,
        }
        %scan3A_23 = arith.constant 128 : i32
        %mul3A_24 = arith.constant 16384 : i32
        %mul3A_25 = arith.muli %add3A, %mul3A_24 : i32
        %mul3A_26 = arith.constant 2048 : i32
        %mul3A_27 = arith.muli %add3A_13, %mul3A_26 : i32
        %add3A_28 = arith.addi %mul3A_25, %mul3A_27 : i32
        "tpu.region"() ({
          %run_scoped3A = tpu.sem_alloc : memref<!tpu.dma_semaphore, #tpu.memory_space<semaphore_mem>>
          %dma_start3A = tpu.memref_slice %arg4[%add3A_28] : memref<425984xf32, #tpu.memory_space<hbm>> -> memref<2048xf32, #tpu.memory_space<hbm>>
          %dma_start3A_29 = tpu.memref_slice %arg4[%add3A_28] : memref<425984xf32, #tpu.memory_space<hbm>> -> memref<2048xf32, #tpu.memory_space<hbm>>
          tpu.enqueue_dma source(%arg7 : memref<2048xf32, #tpu.memory_space<vmem>>) target(%dma_start3A_29 : memref<2048xf32, #tpu.memory_space<hbm>>) target_semaphore(%run_scoped3A : memref<!tpu.dma_semaphore, #tpu.memory_space<semaphore_mem>>)
          %dma_wait3A = tpu.memref_slice %arg4[%add3A_28] : memref<425984xf32, #tpu.memory_space<hbm>> -> memref<2048xf32, #tpu.memory_space<hbm>>
          %dma_wait3A_30 = tpu.memref_slice %arg4[%add3A_28] : memref<425984xf32, #tpu.memory_space<hbm>> -> memref<2048xf32, #tpu.memory_space<hbm>>
          tpu.wait_dma2 semaphore(%run_scoped3A : memref<!tpu.dma_semaphore, #tpu.memory_space<semaphore_mem>>) src(%arg7 : memref<2048xf32, #tpu.memory_space<vmem>>) dst(%dma_wait3A_30 : memref<2048xf32, #tpu.memory_space<hbm>>)
          tpu.yield
        }) : () -> ()
      }
      %scan3A_8 = arith.constant 8 : i32
    } else {
    }
    return
  }
}

#map = affine_map<(d0, d1) -> (0, 0)>
module attributes {stable_mosaic.version = 14 : i64} {
  func.func @k(%arg0: i32, %arg1: i32, %arg2: memref<325000x128xf32, #tpu.memory_space<hbm>>, %arg3: memref<1x425984xi32, #tpu.memory_space<hbm>>, %arg4: memref<1x425984xi32, #tpu.memory_space<hbm>>, %arg5: memref<53248x128xf32, #tpu.memory_space<hbm>>, %arg6: memref<512x128xf32, #tpu.memory_space<vmem>>) attributes {dimension_semantics = [#tpu.dimension_semantics<core_parallel>, #tpu.dimension_semantics<subcore_parallel>], iteration_bounds = array<i64: 2, 16>, scalar_prefetch = 0 : i64, scratch_operands = 1 : i64, tpu.core_type = #tpu.core_type<sc_vector_subcore>, window_params = [{transform_indices = #map}, {transform_indices = #map}, {transform_indices = #map}, {transform_indices = #map}]} {
    %iota3A = tpu.iota {dimensions = array<i32: 0>} : vector<16xi32>
    %mul3A = arith.constant 1 : i32
    %mul3A_0 = arith.muli %arg1, %mul3A : i32
    %add3A = arith.constant 0 : i32
    %add3A_1 = arith.addi %add3A, %mul3A_0 : i32
    %mul3A_2 = arith.constant 16 : i32
    %mul3A_3 = arith.muli %arg0, %mul3A_2 : i32
    %add3A_4 = arith.addi %add3A_1, %mul3A_3 : i32
    %mul3A_5 = arith.constant 26 : i32
    %mul3A_6 = arith.muli %add3A_4, %mul3A_5 : i32
    "tpu.region"() ({
      %run_scoped3A = memref.alloca() : memref<2x1x512xi32, #tpu.memory_space<vmem>>
      %run_scoped3A_7 = tpu.sem_alloc : memref<2x!tpu.dma_semaphore, #tpu.memory_space<semaphore_mem>>
      %run_scoped3A_8 = memref.alloca() : memref<2x1x512xi32, #tpu.memory_space<vmem>>
      %run_scoped3A_9 = tpu.sem_alloc : memref<2x!tpu.dma_semaphore, #tpu.memory_space<semaphore_mem>>
      %run_scoped3A_10 = memref.alloca() : memref<2x64x128xf32, #tpu.memory_space<vmem>>
      %run_scoped3A_11 = tpu.sem_alloc : memref<2x!tpu.dma_semaphore, #tpu.memory_space<semaphore_mem>>
      %add3A_12 = arith.constant 0 : i32
      %add3A_13 = arith.addi %add3A_12, %mul3A_6 : i32
      %select_n3A = arith.constant true
      %select_n3A_14 = arith.constant 0 : i32
      %select_n3A_15 = arith.constant -1 : i32
      %select_n3A_16 = arith.select %select_n3A, %select_n3A_15, %select_n3A_14 : i32
      %eq3A = arith.constant -1 : i32
      %eq3A_17 = arith.cmpi eq, %select_n3A_16, %eq3A : i32
      %select_n3A_18 = arith.constant 25 : i32
      %select_n3A_19 = arith.select %eq3A_17, %select_n3A_18, %select_n3A_16 : i32
      %add3A_20 = arith.addi %select_n3A_19, %mul3A_6 : i32
      %select_n3A_21 = arith.constant true
      %select_n3A_22 = arith.constant 0 : i32
      %select_n3A_23 = arith.constant 1 : i32
      %select_n3A_24 = arith.select %select_n3A_21, %select_n3A_23, %select_n3A_22 : i32
      %eq3A_25 = arith.constant 26 : i32
      %eq3A_26 = arith.cmpi eq, %select_n3A_24, %eq3A_25 : i32
      %select_n3A_27 = arith.constant 0 : i32
      %select_n3A_28 = arith.select %eq3A_26, %select_n3A_27, %select_n3A_24 : i32
      %add3A_29 = arith.addi %select_n3A_28, %mul3A_6 : i32
      %add3A_30 = arith.constant 1 : i32
      %add3A_31 = arith.addi %select_n3A_28, %add3A_30 : i32
      %select_n3A_32 = arith.constant true
      %select_n3A_33 = arith.select %select_n3A_32, %add3A_31, %select_n3A_28 : i32
      %eq3A_34 = arith.constant 26 : i32
      %eq3A_35 = arith.cmpi eq, %select_n3A_33, %eq3A_34 : i32
      %select_n3A_36 = arith.constant 0 : i32
      %select_n3A_37 = arith.select %eq3A_35, %select_n3A_36, %select_n3A_33 : i32
      %add3A_38 = arith.addi %select_n3A_37, %mul3A_6 : i32
      "tpu.trace_start"() <{level = 10 : i32, message = "ep_initialize_0"}> : () -> ()
      %rem3A = arith.constant 0 : i32
      %rem3A_39 = arith.constant 2 : i32
      %rem3A_40 = arith.remui %rem3A, %rem3A_39 : i32
      %mul3A_41 = arith.constant 512 : i32
      %mul3A_42 = arith.muli %mul3A_41, %add3A_13 : i32
      %dma_start3A = arith.constant 0 : i32
      %dma_start3A_43 = arith.constant 0 : i32
      %dma_start3A_44 = tpu.memref_slice %run_scoped3A[%rem3A_40, %dma_start3A, %dma_start3A_43] : memref<2x1x512xi32, #tpu.memory_space<vmem>> -> memref<1x1x512xi32, #tpu.memory_space<vmem>>
      %dma_start3A_45 = tpu.memref_squeeze %dma_start3A_44 : memref<1x1x512xi32, #tpu.memory_space<vmem>> -> memref<1x512xi32, #tpu.memory_space<vmem>>
      %dma_start3A_46 = arith.constant 0 : i32
      %dma_start3A_47 = tpu.memref_slice %arg3[%dma_start3A_46, %mul3A_42] : memref<1x425984xi32, #tpu.memory_space<hbm>> -> memref<1x512xi32, #tpu.memory_space<hbm>>
      %dma_start3A_48 = tpu.memref_slice %run_scoped3A_7[%rem3A_40] : memref<2x!tpu.dma_semaphore, #tpu.memory_space<semaphore_mem>> -> memref<1x!tpu.dma_semaphore, #tpu.memory_space<semaphore_mem>>
      %dma_start3A_49 = tpu.memref_squeeze %dma_start3A_48 : memref<1x!tpu.dma_semaphore, #tpu.memory_space<semaphore_mem>> -> memref<!tpu.dma_semaphore, #tpu.memory_space<semaphore_mem>>
      %dma_start3A_50 = arith.constant 0 : i32
      %dma_start3A_51 = arith.constant 0 : i32
      %dma_start3A_52 = tpu.memref_slice %run_scoped3A[%rem3A_40, %dma_start3A_50, %dma_start3A_51] : memref<2x1x512xi32, #tpu.memory_space<vmem>> -> memref<1x1x512xi32, #tpu.memory_space<vmem>>
      %dma_start3A_53 = tpu.memref_squeeze %dma_start3A_52 : memref<1x1x512xi32, #tpu.memory_space<vmem>> -> memref<1x512xi32, #tpu.memory_space<vmem>>
      %dma_start3A_54 = arith.constant 0 : i32
      %dma_start3A_55 = tpu.memref_slice %arg3[%dma_start3A_54, %mul3A_42] : memref<1x425984xi32, #tpu.memory_space<hbm>> -> memref<1x512xi32, #tpu.memory_space<hbm>>
      tpu.enqueue_dma source(%dma_start3A_55 : memref<1x512xi32, #tpu.memory_space<hbm>>) target(%dma_start3A_53 : memref<1x512xi32, #tpu.memory_space<vmem>>) target_semaphore(%dma_start3A_49 : memref<!tpu.dma_semaphore, #tpu.memory_space<semaphore_mem>>)
      %add3A_56 = arith.constant 0 : i32
      %add3A_57 = arith.constant 1 : i32
      %add3A_58 = arith.addi %add3A_56, %add3A_57 : i32
      %select_n3A_59 = arith.constant true
      %select_n3A_60 = arith.constant 0 : i32
      %select_n3A_61 = arith.select %select_n3A_59, %add3A_58, %select_n3A_60 : i32
      %rem3A_62 = arith.constant 0 : i32
      %rem3A_63 = arith.constant 2 : i32
      %rem3A_64 = arith.remui %rem3A_62, %rem3A_63 : i32
      %mul3A_65 = arith.constant 512 : i32
      %mul3A_66 = arith.muli %mul3A_65, %add3A_13 : i32
      %dma_start3A_67 = arith.constant 0 : i32
      %dma_start3A_68 = arith.constant 0 : i32
      %dma_start3A_69 = tpu.memref_slice %run_scoped3A_8[%rem3A_64, %dma_start3A_67, %dma_start3A_68] : memref<2x1x512xi32, #tpu.memory_space<vmem>> -> memref<1x1x512xi32, #tpu.memory_space<vmem>>
      %dma_start3A_70 = tpu.memref_squeeze %dma_start3A_69 : memref<1x1x512xi32, #tpu.memory_space<vmem>> -> memref<1x512xi32, #tpu.memory_space<vmem>>
      %dma_start3A_71 = arith.constant 0 : i32
      %dma_start3A_72 = tpu.memref_slice %arg4[%dma_start3A_71, %mul3A_66] : memref<1x425984xi32, #tpu.memory_space<hbm>> -> memref<1x512xi32, #tpu.memory_space<hbm>>
      %dma_start3A_73 = tpu.memref_slice %run_scoped3A_9[%rem3A_64] : memref<2x!tpu.dma_semaphore, #tpu.memory_space<semaphore_mem>> -> memref<1x!tpu.dma_semaphore, #tpu.memory_space<semaphore_mem>>
      %dma_start3A_74 = tpu.memref_squeeze %dma_start3A_73 : memref<1x!tpu.dma_semaphore, #tpu.memory_space<semaphore_mem>> -> memref<!tpu.dma_semaphore, #tpu.memory_space<semaphore_mem>>
      %dma_start3A_75 = arith.constant 0 : i32
      %dma_start3A_76 = arith.constant 0 : i32
      %dma_start3A_77 = tpu.memref_slice %run_scoped3A_8[%rem3A_64, %dma_start3A_75, %dma_start3A_76] : memref<2x1x512xi32, #tpu.memory_space<vmem>> -> memref<1x1x512xi32, #tpu.memory_space<vmem>>
      %dma_start3A_78 = tpu.memref_squeeze %dma_start3A_77 : memref<1x1x512xi32, #tpu.memory_space<vmem>> -> memref<1x512xi32, #tpu.memory_space<vmem>>
      %dma_start3A_79 = arith.constant 0 : i32
      %dma_start3A_80 = tpu.memref_slice %arg4[%dma_start3A_79, %mul3A_66] : memref<1x425984xi32, #tpu.memory_space<hbm>> -> memref<1x512xi32, #tpu.memory_space<hbm>>
      tpu.enqueue_dma source(%dma_start3A_80 : memref<1x512xi32, #tpu.memory_space<hbm>>) target(%dma_start3A_78 : memref<1x512xi32, #tpu.memory_space<vmem>>) target_semaphore(%dma_start3A_74 : memref<!tpu.dma_semaphore, #tpu.memory_space<semaphore_mem>>)
      %add3A_81 = arith.constant 0 : i32
      %add3A_82 = arith.constant 1 : i32
      %add3A_83 = arith.addi %add3A_81, %add3A_82 : i32
      %select_n3A_84 = arith.constant true
      %select_n3A_85 = arith.constant 0 : i32
      %select_n3A_86 = arith.select %select_n3A_84, %add3A_83, %select_n3A_85 : i32
      "tpu.trace_stop"() : () -> ()
      %scan3A = arith.constant 0 : i32
      %scan3A_87 = arith.constant 0 : i32
      %scan3A_88 = arith.constant 0 : i32
      %scan3A_89 = arith.constant 0 : i32
      %scan3A_90 = arith.constant 0 : i32
      %scan3A_91 = arith.constant 0 : i32
      %scan3A_92 = arith.constant 26 : i32
      %scan3A_93 = arith.addi %scan3A_91, %scan3A_92 : i32
      %scan3A_94 = arith.constant 1 : i32
      %scan3A_95:7 = scf.for %scan3A_149 = %scan3A_91 to %scan3A_93 step %scan3A_94 iter_args(%scan3A_150 = %select_n3A_61, %scan3A_151 = %scan3A, %scan3A_152 = %select_n3A_86, %scan3A_153 = %scan3A_87, %scan3A_154 = %scan3A_88, %scan3A_155 = %scan3A_89, %scan3A_156 = %scan3A_90) -> (i32, i32, i32, i32, i32, i32, i32)  : i32 {
        %eq3A_157 = arith.constant 0 : i32
        %eq3A_158 = arith.cmpi eq, %scan3A_149, %eq3A_157 : i32
        %eq3A_159 = arith.constant 25 : i32
        %eq3A_160 = arith.cmpi eq, %scan3A_149, %eq3A_159 : i32
        %add3A_161 = arith.addi %scan3A_156, %mul3A_6 : i32
        %sub3A_162 = arith.constant 1 : i32
        %sub3A_163 = arith.subi %scan3A_156, %sub3A_162 : i32
        %select_n3A_164 = arith.constant true
        %select_n3A_165 = arith.select %select_n3A_164, %sub3A_163, %scan3A_156 : i32
        %eq3A_166 = arith.constant -1 : i32
        %eq3A_167 = arith.cmpi eq, %select_n3A_165, %eq3A_166 : i32
        %select_n3A_168 = arith.constant 25 : i32
        %select_n3A_169 = arith.select %eq3A_167, %select_n3A_168, %select_n3A_165 : i32
        %add3A_170 = arith.addi %select_n3A_169, %mul3A_6 : i32
        %add3A_171 = arith.constant 1 : i32
        %add3A_172 = arith.addi %scan3A_156, %add3A_171 : i32
        %select_n3A_173 = arith.constant true
        %select_n3A_174 = arith.select %select_n3A_173, %add3A_172, %scan3A_156 : i32
        %eq3A_175 = arith.constant 26 : i32
        %eq3A_176 = arith.cmpi eq, %select_n3A_174, %eq3A_175 : i32
        %select_n3A_177 = arith.constant 0 : i32
        %select_n3A_178 = arith.select %eq3A_176, %select_n3A_177, %select_n3A_174 : i32
        %add3A_179 = arith.addi %select_n3A_178, %mul3A_6 : i32
        %add3A_180 = arith.constant 1 : i32
        %add3A_181 = arith.addi %select_n3A_178, %add3A_180 : i32
        %select_n3A_182 = arith.constant true
        %select_n3A_183 = arith.select %select_n3A_182, %add3A_181, %select_n3A_178 : i32
        %eq3A_184 = arith.constant 26 : i32
        %eq3A_185 = arith.cmpi eq, %select_n3A_183, %eq3A_184 : i32
        %select_n3A_186 = arith.constant 0 : i32
        %select_n3A_187 = arith.select %eq3A_185, %select_n3A_186, %select_n3A_183 : i32
        %add3A_188 = arith.addi %select_n3A_187, %mul3A_6 : i32
        %ne3A = arith.cmpi ne, %add3A_161, %add3A_179 : i32
        %or3A = arith.constant false
        %or3A_189 = arith.ori %or3A, %ne3A : i1
        %ge3A = arith.constant 25 : i32
        %ge3A_190 = arith.cmpi sge, %scan3A_149, %ge3A : i32
        %not3A = arith.constant true
        %not3A_191 = arith.xori %ge3A_190, %not3A : i1
        %and3A = arith.andi %or3A_189, %not3A_191 : i1
        %convert_element_type3A = arith.extui %and3A : i1 to i32
        %cond3A = arith.constant 0 : i32
        %cond3A_192 = arith.cmpi ne, %convert_element_type3A, %cond3A : i32
        scf.if %cond3A_192 {
          "tpu.trace_start"() <{level = 10 : i32, message = "ep_copy_in"}> : () -> ()
          %rem3A_351 = arith.constant 2 : i32
          %rem3A_352 = arith.remui %scan3A_150, %rem3A_351 : i32
          %mul3A_353 = arith.constant 512 : i32
          %mul3A_354 = arith.muli %mul3A_353, %add3A_179 : i32
          %dma_start3A_355 = arith.constant 0 : i32
          %dma_start3A_356 = arith.constant 0 : i32
          %dma_start3A_357 = tpu.memref_slice %run_scoped3A[%rem3A_352, %dma_start3A_355, %dma_start3A_356] : memref<2x1x512xi32, #tpu.memory_space<vmem>> -> memref<1x1x512xi32, #tpu.memory_space<vmem>>
          %dma_start3A_358 = tpu.memref_squeeze %dma_start3A_357 : memref<1x1x512xi32, #tpu.memory_space<vmem>> -> memref<1x512xi32, #tpu.memory_space<vmem>>
          %dma_start3A_359 = arith.constant 0 : i32
          %dma_start3A_360 = tpu.memref_slice %arg3[%dma_start3A_359, %mul3A_354] : memref<1x425984xi32, #tpu.memory_space<hbm>> -> memref<1x512xi32, #tpu.memory_space<hbm>>
          %dma_start3A_361 = tpu.memref_slice %run_scoped3A_7[%rem3A_352] : memref<2x!tpu.dma_semaphore, #tpu.memory_space<semaphore_mem>> -> memref<1x!tpu.dma_semaphore, #tpu.memory_space<semaphore_mem>>
          %dma_start3A_362 = tpu.memref_squeeze %dma_start3A_361 : memref<1x!tpu.dma_semaphore, #tpu.memory_space<semaphore_mem>> -> memref<!tpu.dma_semaphore, #tpu.memory_space<semaphore_mem>>
          %dma_start3A_363 = arith.constant 0 : i32
          %dma_start3A_364 = arith.constant 0 : i32
          %dma_start3A_365 = tpu.memref_slice %run_scoped3A[%rem3A_352, %dma_start3A_363, %dma_start3A_364] : memref<2x1x512xi32, #tpu.memory_space<vmem>> -> memref<1x1x512xi32, #tpu.memory_space<vmem>>
          %dma_start3A_366 = tpu.memref_squeeze %dma_start3A_365 : memref<1x1x512xi32, #tpu.memory_space<vmem>> -> memref<1x512xi32, #tpu.memory_space<vmem>>
          %dma_start3A_367 = arith.constant 0 : i32
          %dma_start3A_368 = tpu.memref_slice %arg3[%dma_start3A_367, %mul3A_354] : memref<1x425984xi32, #tpu.memory_space<hbm>> -> memref<1x512xi32, #tpu.memory_space<hbm>>
          tpu.enqueue_dma source(%dma_start3A_368 : memref<1x512xi32, #tpu.memory_space<hbm>>) target(%dma_start3A_366 : memref<1x512xi32, #tpu.memory_space<vmem>>) target_semaphore(%dma_start3A_362 : memref<!tpu.dma_semaphore, #tpu.memory_space<semaphore_mem>>)
          "tpu.trace_stop"() : () -> ()
        } else {
        }
        %and3A_193 = arith.constant true
        %and3A_194 = arith.andi %and3A, %and3A_193 : i1
        %add3A_195 = arith.constant 1 : i32
        %add3A_196 = arith.addi %scan3A_150, %add3A_195 : i32
        %select_n3A_197 = arith.select %and3A_194, %add3A_196, %scan3A_150 : i32
        %ne3A_198 = arith.cmpi ne, %add3A_161, %add3A_179 : i32
        %or3A_199 = arith.constant false
        %or3A_200 = arith.ori %or3A_199, %ne3A_198 : i1
        %ge3A_201 = arith.constant 25 : i32
        %ge3A_202 = arith.cmpi sge, %scan3A_149, %ge3A_201 : i32
        %not3A_203 = arith.constant true
        %not3A_204 = arith.xori %ge3A_202, %not3A_203 : i1
        %and3A_205 = arith.andi %or3A_200, %not3A_204 : i1
        %convert_element_type3A_206 = arith.extui %and3A_205 : i1 to i32
        %cond3A_207 = arith.constant 0 : i32
        %cond3A_208 = arith.cmpi ne, %convert_element_type3A_206, %cond3A_207 : i32
        scf.if %cond3A_208 {
          "tpu.trace_start"() <{level = 10 : i32, message = "ep_copy_in"}> : () -> ()
          %rem3A_351 = arith.constant 2 : i32
          %rem3A_352 = arith.remui %scan3A_152, %rem3A_351 : i32
          %mul3A_353 = arith.constant 512 : i32
          %mul3A_354 = arith.muli %mul3A_353, %add3A_179 : i32
          %dma_start3A_355 = arith.constant 0 : i32
          %dma_start3A_356 = arith.constant 0 : i32
          %dma_start3A_357 = tpu.memref_slice %run_scoped3A_8[%rem3A_352, %dma_start3A_355, %dma_start3A_356] : memref<2x1x512xi32, #tpu.memory_space<vmem>> -> memref<1x1x512xi32, #tpu.memory_space<vmem>>
          %dma_start3A_358 = tpu.memref_squeeze %dma_start3A_357 : memref<1x1x512xi32, #tpu.memory_space<vmem>> -> memref<1x512xi32, #tpu.memory_space<vmem>>
          %dma_start3A_359 = arith.constant 0 : i32
          %dma_start3A_360 = tpu.memref_slice %arg4[%dma_start3A_359, %mul3A_354] : memref<1x425984xi32, #tpu.memory_space<hbm>> -> memref<1x512xi32, #tpu.memory_space<hbm>>
          %dma_start3A_361 = tpu.memref_slice %run_scoped3A_9[%rem3A_352] : memref<2x!tpu.dma_semaphore, #tpu.memory_space<semaphore_mem>> -> memref<1x!tpu.dma_semaphore, #tpu.memory_space<semaphore_mem>>
          %dma_start3A_362 = tpu.memref_squeeze %dma_start3A_361 : memref<1x!tpu.dma_semaphore, #tpu.memory_space<semaphore_mem>> -> memref<!tpu.dma_semaphore, #tpu.memory_space<semaphore_mem>>
          %dma_start3A_363 = arith.constant 0 : i32
          %dma_start3A_364 = arith.constant 0 : i32
          %dma_start3A_365 = tpu.memref_slice %run_scoped3A_8[%rem3A_352, %dma_start3A_363, %dma_start3A_364] : memref<2x1x512xi32, #tpu.memory_space<vmem>> -> memref<1x1x512xi32, #tpu.memory_space<vmem>>
          %dma_start3A_366 = tpu.memref_squeeze %dma_start3A_365 : memref<1x1x512xi32, #tpu.memory_space<vmem>> -> memref<1x512xi32, #tpu.memory_space<vmem>>
          %dma_start3A_367 = arith.constant 0 : i32
          %dma_start3A_368 = tpu.memref_slice %arg4[%dma_start3A_367, %mul3A_354] : memref<1x425984xi32, #tpu.memory_space<hbm>> -> memref<1x512xi32, #tpu.memory_space<hbm>>
          tpu.enqueue_dma source(%dma_start3A_368 : memref<1x512xi32, #tpu.memory_space<hbm>>) target(%dma_start3A_366 : memref<1x512xi32, #tpu.memory_space<vmem>>) target_semaphore(%dma_start3A_362 : memref<!tpu.dma_semaphore, #tpu.memory_space<semaphore_mem>>)
          "tpu.trace_stop"() : () -> ()
        } else {
        }
        %and3A_209 = arith.constant true
        %and3A_210 = arith.andi %and3A_205, %and3A_209 : i1
        %add3A_211 = arith.constant 1 : i32
        %add3A_212 = arith.addi %scan3A_152, %add3A_211 : i32
        %select_n3A_213 = arith.select %and3A_210, %add3A_212, %scan3A_152 : i32
        %ne3A_214 = arith.cmpi ne, %add3A_161, %add3A_179 : i32
        %or3A_215 = arith.constant false
        %or3A_216 = arith.ori %or3A_215, %ne3A_214 : i1
        %or3A_217 = arith.constant false
        %or3A_218 = arith.ori %or3A_216, %or3A_217 : i1
        %ge3A_219 = arith.constant 25 : i32
        %ge3A_220 = arith.cmpi sge, %scan3A_149, %ge3A_219 : i32
        %not3A_221 = arith.constant true
        %not3A_222 = arith.xori %ge3A_220, %not3A_221 : i1
        %and3A_223 = arith.andi %or3A_218, %not3A_222 : i1
        %ne3A_224 = arith.cmpi ne, %add3A_161, %add3A_170 : i32
        %or3A_225 = arith.constant false
        %or3A_226 = arith.ori %or3A_225, %ne3A_224 : i1
        %or3A_227 = arith.ori %or3A_226, %eq3A_158 : i1
        %convert_element_type3A_228 = arith.extui %or3A_227 : i1 to i32
        %cond3A_229 = arith.constant 0 : i32
        %cond3A_230 = arith.cmpi ne, %convert_element_type3A_228, %cond3A_229 : i32
        scf.if %cond3A_230 {
          "tpu.trace_start"() <{level = 10 : i32, message = "ep_wait_in"}> : () -> ()
          %mul3A_351 = arith.constant 512 : i32
          %mul3A_352 = arith.muli %mul3A_351, %add3A_161 : i32
          %rem3A_353 = arith.constant 2 : i32
          %rem3A_354 = arith.remui %scan3A_151, %rem3A_353 : i32
          %dma_wait3A_355 = arith.constant 0 : i32
          %dma_wait3A_356 = arith.constant 0 : i32
          %dma_wait3A_357 = tpu.memref_slice %run_scoped3A[%rem3A_354, %dma_wait3A_355, %dma_wait3A_356] : memref<2x1x512xi32, #tpu.memory_space<vmem>> -> memref<1x1x512xi32, #tpu.memory_space<vmem>>
          %dma_wait3A_358 = tpu.memref_squeeze %dma_wait3A_357 : memref<1x1x512xi32, #tpu.memory_space<vmem>> -> memref<1x512xi32, #tpu.memory_space<vmem>>
          %dma_wait3A_359 = arith.constant 0 : i32
          %dma_wait3A_360 = tpu.memref_slice %arg3[%dma_wait3A_359, %mul3A_352] : memref<1x425984xi32, #tpu.memory_space<hbm>> -> memref<1x512xi32, #tpu.memory_space<hbm>>
          %dma_wait3A_361 = tpu.memref_slice %run_scoped3A_7[%rem3A_354] : memref<2x!tpu.dma_semaphore, #tpu.memory_space<semaphore_mem>> -> memref<1x!tpu.dma_semaphore, #tpu.memory_space<semaphore_mem>>
          %dma_wait3A_362 = tpu.memref_squeeze %dma_wait3A_361 : memref<1x!tpu.dma_semaphore, #tpu.memory_space<semaphore_mem>> -> memref<!tpu.dma_semaphore, #tpu.memory_space<semaphore_mem>>
          %dma_wait3A_363 = arith.constant 0 : i32
          %dma_wait3A_364 = arith.constant 0 : i32
          %dma_wait3A_365 = tpu.memref_slice %run_scoped3A[%rem3A_354, %dma_wait3A_363, %dma_wait3A_364] : memref<2x1x512xi32, #tpu.memory_space<vmem>> -> memref<1x1x512xi32, #tpu.memory_space<vmem>>
          %dma_wait3A_366 = tpu.memref_squeeze %dma_wait3A_365 : memref<1x1x512xi32, #tpu.memory_space<vmem>> -> memref<1x512xi32, #tpu.memory_space<vmem>>
          %dma_wait3A_367 = arith.constant 0 : i32
          %dma_wait3A_368 = tpu.memref_slice %arg3[%dma_wait3A_367, %mul3A_352] : memref<1x425984xi32, #tpu.memory_space<hbm>> -> memref<1x512xi32, #tpu.memory_space<hbm>>
          tpu.wait_dma2 semaphore(%dma_wait3A_362 : memref<!tpu.dma_semaphore, #tpu.memory_space<semaphore_mem>>) src(%dma_wait3A_368 : memref<1x512xi32, #tpu.memory_space<hbm>>) dst(%dma_wait3A_366 : memref<1x512xi32, #tpu.memory_space<vmem>>)
          "tpu.trace_stop"() : () -> ()
        } else {
        }
        %ne3A_231 = arith.cmpi ne, %add3A_161, %add3A_170 : i32
        %or3A_232 = arith.constant false
        %or3A_233 = arith.ori %or3A_232, %ne3A_231 : i1
        %or3A_234 = arith.ori %or3A_233, %eq3A_158 : i1
        %convert_element_type3A_235 = arith.extui %or3A_234 : i1 to i32
        %cond3A_236 = arith.constant 0 : i32
        %cond3A_237 = arith.cmpi ne, %convert_element_type3A_235, %cond3A_236 : i32
        scf.if %cond3A_237 {
          "tpu.trace_start"() <{level = 10 : i32, message = "ep_wait_in"}> : () -> ()
          %mul3A_351 = arith.constant 512 : i32
          %mul3A_352 = arith.muli %mul3A_351, %add3A_161 : i32
          %rem3A_353 = arith.constant 2 : i32
          %rem3A_354 = arith.remui %scan3A_153, %rem3A_353 : i32
          %dma_wait3A_355 = arith.constant 0 : i32
          %dma_wait3A_356 = arith.constant 0 : i32
          %dma_wait3A_357 = tpu.memref_slice %run_scoped3A_8[%rem3A_354, %dma_wait3A_355, %dma_wait3A_356] : memref<2x1x512xi32, #tpu.memory_space<vmem>> -> memref<1x1x512xi32, #tpu.memory_space<vmem>>
          %dma_wait3A_358 = tpu.memref_squeeze %dma_wait3A_357 : memref<1x1x512xi32, #tpu.memory_space<vmem>> -> memref<1x512xi32, #tpu.memory_space<vmem>>
          %dma_wait3A_359 = arith.constant 0 : i32
          %dma_wait3A_360 = tpu.memref_slice %arg4[%dma_wait3A_359, %mul3A_352] : memref<1x425984xi32, #tpu.memory_space<hbm>> -> memref<1x512xi32, #tpu.memory_space<hbm>>
          %dma_wait3A_361 = tpu.memref_slice %run_scoped3A_9[%rem3A_354] : memref<2x!tpu.dma_semaphore, #tpu.memory_space<semaphore_mem>> -> memref<1x!tpu.dma_semaphore, #tpu.memory_space<semaphore_mem>>
          %dma_wait3A_362 = tpu.memref_squeeze %dma_wait3A_361 : memref<1x!tpu.dma_semaphore, #tpu.memory_space<semaphore_mem>> -> memref<!tpu.dma_semaphore, #tpu.memory_space<semaphore_mem>>
          %dma_wait3A_363 = arith.constant 0 : i32
          %dma_wait3A_364 = arith.constant 0 : i32
          %dma_wait3A_365 = tpu.memref_slice %run_scoped3A_8[%rem3A_354, %dma_wait3A_363, %dma_wait3A_364] : memref<2x1x512xi32, #tpu.memory_space<vmem>> -> memref<1x1x512xi32, #tpu.memory_space<vmem>>
          %dma_wait3A_366 = tpu.memref_squeeze %dma_wait3A_365 : memref<1x1x512xi32, #tpu.memory_space<vmem>> -> memref<1x512xi32, #tpu.memory_space<vmem>>
          %dma_wait3A_367 = arith.constant 0 : i32
          %dma_wait3A_368 = tpu.memref_slice %arg4[%dma_wait3A_367, %mul3A_352] : memref<1x425984xi32, #tpu.memory_space<hbm>> -> memref<1x512xi32, #tpu.memory_space<hbm>>
          tpu.wait_dma2 semaphore(%dma_wait3A_362 : memref<!tpu.dma_semaphore, #tpu.memory_space<semaphore_mem>>) src(%dma_wait3A_368 : memref<1x512xi32, #tpu.memory_space<hbm>>) dst(%dma_wait3A_366 : memref<1x512xi32, #tpu.memory_space<vmem>>)
          "tpu.trace_stop"() : () -> ()
        } else {
        }
        %ne3A_238 = arith.cmpi ne, %add3A_161, %add3A_170 : i32
        %or3A_239 = arith.constant false
        %or3A_240 = arith.ori %or3A_239, %ne3A_238 : i1
        %or3A_241 = arith.constant false
        %or3A_242 = arith.ori %or3A_240, %or3A_241 : i1
        %or3A_243 = arith.ori %or3A_242, %eq3A_158 : i1
        %convert_element_type3A_244 = arith.extui %or3A_243 : i1 to i32
        %cond3A_245 = arith.constant 0 : i32
        %cond3A_246 = arith.cmpi ne, %convert_element_type3A_244, %cond3A_245 : i32
        scf.if %cond3A_246 {
        } else {
        }
        %rem3A_247 = arith.constant 2 : i32
        %rem3A_248 = arith.remui %scan3A_151, %rem3A_247 : i32
        %rem3A_249 = arith.constant 2 : i32
        %rem3A_250 = arith.remui %scan3A_153, %rem3A_249 : i32
        %rem3A_251 = arith.constant 2 : i32
        %rem3A_252 = arith.remui %scan3A_154, %rem3A_251 : i32
        %run_scoped3A_253 = arith.constant 0 : i32
        "tpu.trace_start"() <{level = 10 : i32, message = "ep_run_kernel"}> : () -> ()
        "tpu.region"() ({
          %run_scoped3A_351 = tpu.sem_alloc : memref<!tpu.dma_semaphore, #tpu.memory_space<semaphore_mem>>
          %dma_start3A_352 = arith.constant 0 : i32
          %dma_start3A_353 = arith.constant 0 : i32
          %dma_start3A_354 = tpu.memref_slice %run_scoped3A[%rem3A_248, %dma_start3A_352, %dma_start3A_353] : memref<2x1x512xi32, #tpu.memory_space<vmem>> -> memref<1x1x512xi32, #tpu.memory_space<vmem>>
          %dma_start3A_355 = tpu.memref_squeeze %dma_start3A_354 : memref<1x1x512xi32, #tpu.memory_space<vmem>> -> memref<1x512xi32, #tpu.memory_space<vmem>>
          %dma_start3A_356 = arith.constant 0 : i32
          %dma_start3A_357 = tpu.memref_slice %dma_start3A_355[%run_scoped3A_253, %dma_start3A_356] : memref<1x512xi32, #tpu.memory_space<vmem>> -> memref<1x512xi32, #tpu.memory_space<vmem>>
          %dma_start3A_358 = tpu.memref_squeeze %dma_start3A_357 : memref<1x512xi32, #tpu.memory_space<vmem>> -> memref<512xi32, #tpu.memory_space<vmem>>
          %dma_start3A_359 = arith.constant 0 : i32
          %dma_start3A_360 = arith.constant 0 : i32
          %dma_start3A_361 = tpu.memref_slice %arg2[%dma_start3A_359, %dma_start3A_360] : memref<325000x128xf32, #tpu.memory_space<hbm>> -> memref<325000x128xf32, #tpu.memory_space<hbm>>
          tpu.enqueue_indirect_dma source(%dma_start3A_361 : memref<325000x128xf32, #tpu.memory_space<hbm>>) target(%arg6 : memref<512x128xf32, #tpu.memory_space<vmem>>) offsets(%dma_start3A_358 : memref<512xi32, #tpu.memory_space<vmem>>) semaphore(%run_scoped3A_351 : memref<!tpu.dma_semaphore, #tpu.memory_space<semaphore_mem>>)
          %dma_wait3A_362 = arith.constant 0 : i32
          %dma_wait3A_363 = arith.constant 0 : i32
          %dma_wait3A_364 = tpu.memref_slice %run_scoped3A[%rem3A_248, %dma_wait3A_362, %dma_wait3A_363] : memref<2x1x512xi32, #tpu.memory_space<vmem>> -> memref<1x1x512xi32, #tpu.memory_space<vmem>>
          %dma_wait3A_365 = tpu.memref_squeeze %dma_wait3A_364 : memref<1x1x512xi32, #tpu.memory_space<vmem>> -> memref<1x512xi32, #tpu.memory_space<vmem>>
          %dma_wait3A_366 = arith.constant 0 : i32
          %dma_wait3A_367 = tpu.memref_slice %dma_wait3A_365[%run_scoped3A_253, %dma_wait3A_366] : memref<1x512xi32, #tpu.memory_space<vmem>> -> memref<1x512xi32, #tpu.memory_space<vmem>>
          %dma_wait3A_368 = tpu.memref_squeeze %dma_wait3A_367 : memref<1x512xi32, #tpu.memory_space<vmem>> -> memref<512xi32, #tpu.memory_space<vmem>>
          %dma_wait3A_369 = arith.constant 0 : i32
          %dma_wait3A_370 = arith.constant 0 : i32
          %dma_wait3A_371 = tpu.memref_slice %arg2[%dma_wait3A_369, %dma_wait3A_370] : memref<325000x128xf32, #tpu.memory_space<hbm>> -> memref<325000x128xf32, #tpu.memory_space<hbm>>
          tpu.wait_indirect_dma semaphore(%run_scoped3A_351 : memref<!tpu.dma_semaphore, #tpu.memory_space<semaphore_mem>>) src(%dma_wait3A_371 : memref<325000x128xf32, #tpu.memory_space<hbm>>) dst(%arg6 : memref<512x128xf32, #tpu.memory_space<vmem>>)
          tpu.yield
        }) : () -> ()
        %scan3A_254 = arith.constant 0 : i32
        %scan3A_255 = arith.constant 32 : i32
        %scan3A_256 = arith.addi %scan3A_254, %scan3A_255 : i32
        %scan3A_257 = arith.constant 1 : i32
        scf.for %scan3A_351 = %scan3A_254 to %scan3A_256 step %scan3A_257  : i32 {
          %mul3A_352 = arith.constant 1 : i32
          %mul3A_353 = arith.muli %scan3A_351, %mul3A_352 : i32
          %add3A_354 = arith.constant 0 : i32
          %add3A_355 = arith.addi %add3A_354, %mul3A_353 : i32
          %mul3A_356 = arith.constant 16 : i32
          %mul3A_357 = arith.muli %mul3A_356, %add3A_355 : i32
          %add3A_358 = vector.broadcast %mul3A_357 : i32 to vector<16xi32>
          %add3A_359 = arith.addi %iota3A, %add3A_358 : vector<16xi32>
          %mul3A_360 = arith.constant 16 : i32
          %mul3A_361 = arith.muli %mul3A_360, %add3A_355 : i32
          %get3A = arith.constant 0 : i32
          %get3A_362 = arith.constant 0 : i32
          %get3A_363 = arith.constant 0 : i32
          %get3A_364 = tpu.memref_slice %run_scoped3A_8[%rem3A_250, %get3A_362, %get3A_363] : memref<2x1x512xi32, #tpu.memory_space<vmem>> -> memref<1x1x512xi32, #tpu.memory_space<vmem>>
          %get3A_365 = tpu.memref_squeeze %get3A_364 : memref<1x1x512xi32, #tpu.memory_space<vmem>> -> memref<1x512xi32, #tpu.memory_space<vmem>>
          %get3A_366 = arith.index_cast %get3A : i32 to index
          %get3A_367 = arith.index_cast %mul3A_361 : i32 to index
          %get3A_368 = tpu.vector_load %get3A_365[%get3A_366, %get3A_367] {strides = array<i32>} : memref<1x512xi32, #tpu.memory_space<vmem>>, vector<16xi32>,
          %add3A_369 = arith.constant 0 : i32
          %add3A_370 = vector.broadcast %add3A_369 : i32 to vector<16xi32>
          %add3A_371 = arith.addi %get3A_368, %add3A_370 : vector<16xi32>
          %gather3A = tpu.vector_load_idx %arg6[%add3A_359, %add3A_371] : memref<512x128xf32, #tpu.memory_space<vmem>>[vector<16xi32>, vector<16xi32>], vector<16xf32>,
          %mul3A_372 = arith.constant 256 : i32
          %mul3A_373 = arith.muli %mul3A_372, %add3A_355 : i32
          %mul3A_374 = arith.constant 16 : i32
          %mul3A_375 = vector.broadcast %mul3A_374 : i32 to vector<16xi32>
          %mul3A_376 = arith.muli %mul3A_375, %iota3A : vector<16xi32>
          %add3A_377 = vector.broadcast %mul3A_373 : i32 to vector<16xi32>
          %add3A_378 = arith.addi %add3A_377, %mul3A_376 : vector<16xi32>
          %add3A_379 = arith.constant 0 : i32
          %add3A_380 = vector.broadcast %add3A_379 : i32 to vector<16xi32>
          %add3A_381 = arith.addi %add3A_378, %add3A_380 : vector<16xi32>
          %shift_right_logical3A = arith.constant 7 : i32
          %shift_right_logical3A_382 = vector.broadcast %shift_right_logical3A : i32 to vector<16xi32>
          %shift_right_logical3A_383 = arith.shrui %add3A_381, %shift_right_logical3A_382 : vector<16xi32>
          %and3A_384 = arith.constant 127 : i32
          %and3A_385 = vector.broadcast %and3A_384 : i32 to vector<16xi32>
          %and3A_386 = arith.andi %add3A_381, %and3A_385 : vector<16xi32>
          %scatter3A = arith.constant 0 : i32
          %scatter3A_387 = arith.constant 0 : i32
          %scatter3A_388 = tpu.memref_slice %run_scoped3A_10[%rem3A_252, %scatter3A, %scatter3A_387] : memref<2x64x128xf32, #tpu.memory_space<vmem>> -> memref<1x64x128xf32, #tpu.memory_space<vmem>>
          %scatter3A_389 = tpu.memref_squeeze %scatter3A_388 : memref<1x64x128xf32, #tpu.memory_space<vmem>> -> memref<64x128xf32, #tpu.memory_space<vmem>>
          tpu.vector_store_idx %scatter3A_389[%shift_right_logical3A_383, %and3A_386], %gather3A : memref<64x128xf32, #tpu.memory_space<vmem>>[vector<16xi32>, vector<16xi32>], vector<16xf32>,
          %add3A_390 = arith.constant 1 : i32
          %add3A_391 = vector.broadcast %add3A_390 : i32 to vector<16xi32>
          %add3A_392 = arith.addi %get3A_368, %add3A_391 : vector<16xi32>
          %gather3A_393 = tpu.vector_load_idx %arg6[%add3A_359, %add3A_392] : memref<512x128xf32, #tpu.memory_space<vmem>>[vector<16xi32>, vector<16xi32>], vector<16xf32>,
          %mul3A_394 = arith.constant 256 : i32
          %mul3A_395 = arith.muli %mul3A_394, %add3A_355 : i32
          %mul3A_396 = arith.constant 16 : i32
          %mul3A_397 = vector.broadcast %mul3A_396 : i32 to vector<16xi32>
          %mul3A_398 = arith.muli %mul3A_397, %iota3A : vector<16xi32>
          %add3A_399 = vector.broadcast %mul3A_395 : i32 to vector<16xi32>
          %add3A_400 = arith.addi %add3A_399, %mul3A_398 : vector<16xi32>
          %add3A_401 = arith.constant 1 : i32
          %add3A_402 = vector.broadcast %add3A_401 : i32 to vector<16xi32>
          %add3A_403 = arith.addi %add3A_400, %add3A_402 : vector<16xi32>
          %shift_right_logical3A_404 = arith.constant 7 : i32
          %shift_right_logical3A_405 = vector.broadcast %shift_right_logical3A_404 : i32 to vector<16xi32>
          %shift_right_logical3A_406 = arith.shrui %add3A_403, %shift_right_logical3A_405 : vector<16xi32>
          %and3A_407 = arith.constant 127 : i32
          %and3A_408 = vector.broadcast %and3A_407 : i32 to vector<16xi32>
          %and3A_409 = arith.andi %add3A_403, %and3A_408 : vector<16xi32>
          %scatter3A_410 = arith.constant 0 : i32
          %scatter3A_411 = arith.constant 0 : i32
          %scatter3A_412 = tpu.memref_slice %run_scoped3A_10[%rem3A_252, %scatter3A_410, %scatter3A_411] : memref<2x64x128xf32, #tpu.memory_space<vmem>> -> memref<1x64x128xf32, #tpu.memory_space<vmem>>
          %scatter3A_413 = tpu.memref_squeeze %scatter3A_412 : memref<1x64x128xf32, #tpu.memory_space<vmem>> -> memref<64x128xf32, #tpu.memory_space<vmem>>
          tpu.vector_store_idx %scatter3A_413[%shift_right_logical3A_406, %and3A_409], %gather3A_393 : memref<64x128xf32, #tpu.memory_space<vmem>>[vector<16xi32>, vector<16xi32>], vector<16xf32>,
          %add3A_414 = arith.constant 2 : i32
          %add3A_415 = vector.broadcast %add3A_414 : i32 to vector<16xi32>
          %add3A_416 = arith.addi %get3A_368, %add3A_415 : vector<16xi32>
          %gather3A_417 = tpu.vector_load_idx %arg6[%add3A_359, %add3A_416] : memref<512x128xf32, #tpu.memory_space<vmem>>[vector<16xi32>, vector<16xi32>], vector<16xf32>,
          %mul3A_418 = arith.constant 256 : i32
          %mul3A_419 = arith.muli %mul3A_418, %add3A_355 : i32
          %mul3A_420 = arith.constant 16 : i32
          %mul3A_421 = vector.broadcast %mul3A_420 : i32 to vector<16xi32>
          %mul3A_422 = arith.muli %mul3A_421, %iota3A : vector<16xi32>
          %add3A_423 = vector.broadcast %mul3A_419 : i32 to vector<16xi32>
          %add3A_424 = arith.addi %add3A_423, %mul3A_422 : vector<16xi32>
          %add3A_425 = arith.constant 2 : i32
          %add3A_426 = vector.broadcast %add3A_425 : i32 to vector<16xi32>
          %add3A_427 = arith.addi %add3A_424, %add3A_426 : vector<16xi32>
          %shift_right_logical3A_428 = arith.constant 7 : i32
          %shift_right_logical3A_429 = vector.broadcast %shift_right_logical3A_428 : i32 to vector<16xi32>
          %shift_right_logical3A_430 = arith.shrui %add3A_427, %shift_right_logical3A_429 : vector<16xi32>
          %and3A_431 = arith.constant 127 : i32
          %and3A_432 = vector.broadcast %and3A_431 : i32 to vector<16xi32>
          %and3A_433 = arith.andi %add3A_427, %and3A_432 : vector<16xi32>
          %scatter3A_434 = arith.constant 0 : i32
          %scatter3A_435 = arith.constant 0 : i32
          %scatter3A_436 = tpu.memref_slice %run_scoped3A_10[%rem3A_252, %scatter3A_434, %scatter3A_435] : memref<2x64x128xf32, #tpu.memory_space<vmem>> -> memref<1x64x128xf32, #tpu.memory_space<vmem>>
          %scatter3A_437 = tpu.memref_squeeze %scatter3A_436 : memref<1x64x128xf32, #tpu.memory_space<vmem>> -> memref<64x128xf32, #tpu.memory_space<vmem>>
          tpu.vector_store_idx %scatter3A_437[%shift_right_logical3A_430, %and3A_433], %gather3A_417 : memref<64x128xf32, #tpu.memory_space<vmem>>[vector<16xi32>, vector<16xi32>], vector<16xf32>,
          %add3A_438 = arith.constant 3 : i32
          %add3A_439 = vector.broadcast %add3A_438 : i32 to vector<16xi32>
          %add3A_440 = arith.addi %get3A_368, %add3A_439 : vector<16xi32>
          %gather3A_441 = tpu.vector_load_idx %arg6[%add3A_359, %add3A_440] : memref<512x128xf32, #tpu.memory_space<vmem>>[vector<16xi32>, vector<16xi32>], vector<16xf32>,
          %mul3A_442 = arith.constant 256 : i32
          %mul3A_443 = arith.muli %mul3A_442, %add3A_355 : i32
          %mul3A_444 = arith.constant 16 : i32
          %mul3A_445 = vector.broadcast %mul3A_444 : i32 to vector<16xi32>
          %mul3A_446 = arith.muli %mul3A_445, %iota3A : vector<16xi32>
          %add3A_447 = vector.broadcast %mul3A_443 : i32 to vector<16xi32>
          %add3A_448 = arith.addi %add3A_447, %mul3A_446 : vector<16xi32>
          %add3A_449 = arith.constant 3 : i32
          %add3A_450 = vector.broadcast %add3A_449 : i32 to vector<16xi32>
          %add3A_451 = arith.addi %add3A_448, %add3A_450 : vector<16xi32>
          %shift_right_logical3A_452 = arith.constant 7 : i32
          %shift_right_logical3A_453 = vector.broadcast %shift_right_logical3A_452 : i32 to vector<16xi32>
          %shift_right_logical3A_454 = arith.shrui %add3A_451, %shift_right_logical3A_453 : vector<16xi32>
          %and3A_455 = arith.constant 127 : i32
          %and3A_456 = vector.broadcast %and3A_455 : i32 to vector<16xi32>
          %and3A_457 = arith.andi %add3A_451, %and3A_456 : vector<16xi32>
          %scatter3A_458 = arith.constant 0 : i32
          %scatter3A_459 = arith.constant 0 : i32
          %scatter3A_460 = tpu.memref_slice %run_scoped3A_10[%rem3A_252, %scatter3A_458, %scatter3A_459] : memref<2x64x128xf32, #tpu.memory_space<vmem>> -> memref<1x64x128xf32, #tpu.memory_space<vmem>>
          %scatter3A_461 = tpu.memref_squeeze %scatter3A_460 : memref<1x64x128xf32, #tpu.memory_space<vmem>> -> memref<64x128xf32, #tpu.memory_space<vmem>>
          tpu.vector_store_idx %scatter3A_461[%shift_right_logical3A_454, %and3A_457], %gather3A_441 : memref<64x128xf32, #tpu.memory_space<vmem>>[vector<16xi32>, vector<16xi32>], vector<16xf32>,
          %add3A_462 = arith.constant 4 : i32
          %add3A_463 = vector.broadcast %add3A_462 : i32 to vector<16xi32>
          %add3A_464 = arith.addi %get3A_368, %add3A_463 : vector<16xi32>
          %gather3A_465 = tpu.vector_load_idx %arg6[%add3A_359, %add3A_464] : memref<512x128xf32, #tpu.memory_space<vmem>>[vector<16xi32>, vector<16xi32>], vector<16xf32>,
          %mul3A_466 = arith.constant 256 : i32
          %mul3A_467 = arith.muli %mul3A_466, %add3A_355 : i32
          %mul3A_468 = arith.constant 16 : i32
          %mul3A_469 = vector.broadcast %mul3A_468 : i32 to vector<16xi32>
          %mul3A_470 = arith.muli %mul3A_469, %iota3A : vector<16xi32>
          %add3A_471 = vector.broadcast %mul3A_467 : i32 to vector<16xi32>
          %add3A_472 = arith.addi %add3A_471, %mul3A_470 : vector<16xi32>
          %add3A_473 = arith.constant 4 : i32
          %add3A_474 = vector.broadcast %add3A_473 : i32 to vector<16xi32>
          %add3A_475 = arith.addi %add3A_472, %add3A_474 : vector<16xi32>
          %shift_right_logical3A_476 = arith.constant 7 : i32
          %shift_right_logical3A_477 = vector.broadcast %shift_right_logical3A_476 : i32 to vector<16xi32>
          %shift_right_logical3A_478 = arith.shrui %add3A_475, %shift_right_logical3A_477 : vector<16xi32>
          %and3A_479 = arith.constant 127 : i32
          %and3A_480 = vector.broadcast %and3A_479 : i32 to vector<16xi32>
          %and3A_481 = arith.andi %add3A_475, %and3A_480 : vector<16xi32>
          %scatter3A_482 = arith.constant 0 : i32
          %scatter3A_483 = arith.constant 0 : i32
          %scatter3A_484 = tpu.memref_slice %run_scoped3A_10[%rem3A_252, %scatter3A_482, %scatter3A_483] : memref<2x64x128xf32, #tpu.memory_space<vmem>> -> memref<1x64x128xf32, #tpu.memory_space<vmem>>
          %scatter3A_485 = tpu.memref_squeeze %scatter3A_484 : memref<1x64x128xf32, #tpu.memory_space<vmem>> -> memref<64x128xf32, #tpu.memory_space<vmem>>
          tpu.vector_store_idx %scatter3A_485[%shift_right_logical3A_478, %and3A_481], %gather3A_465 : memref<64x128xf32, #tpu.memory_space<vmem>>[vector<16xi32>, vector<16xi32>], vector<16xf32>,
          %add3A_486 = arith.constant 5 : i32
          %add3A_487 = vector.broadcast %add3A_486 : i32 to vector<16xi32>
          %add3A_488 = arith.addi %get3A_368, %add3A_487 : vector<16xi32>
          %gather3A_489 = tpu.vector_load_idx %arg6[%add3A_359, %add3A_488] : memref<512x128xf32, #tpu.memory_space<vmem>>[vector<16xi32>, vector<16xi32>], vector<16xf32>,
          %mul3A_490 = arith.constant 256 : i32
          %mul3A_491 = arith.muli %mul3A_490, %add3A_355 : i32
          %mul3A_492 = arith.constant 16 : i32
          %mul3A_493 = vector.broadcast %mul3A_492 : i32 to vector<16xi32>
          %mul3A_494 = arith.muli %mul3A_493, %iota3A : vector<16xi32>
          %add3A_495 = vector.broadcast %mul3A_491 : i32 to vector<16xi32>
          %add3A_496 = arith.addi %add3A_495, %mul3A_494 : vector<16xi32>
          %add3A_497 = arith.constant 5 : i32
          %add3A_498 = vector.broadcast %add3A_497 : i32 to vector<16xi32>
          %add3A_499 = arith.addi %add3A_496, %add3A_498 : vector<16xi32>
          %shift_right_logical3A_500 = arith.constant 7 : i32
          %shift_right_logical3A_501 = vector.broadcast %shift_right_logical3A_500 : i32 to vector<16xi32>
          %shift_right_logical3A_502 = arith.shrui %add3A_499, %shift_right_logical3A_501 : vector<16xi32>
          %and3A_503 = arith.constant 127 : i32
          %and3A_504 = vector.broadcast %and3A_503 : i32 to vector<16xi32>
          %and3A_505 = arith.andi %add3A_499, %and3A_504 : vector<16xi32>
          %scatter3A_506 = arith.constant 0 : i32
          %scatter3A_507 = arith.constant 0 : i32
          %scatter3A_508 = tpu.memref_slice %run_scoped3A_10[%rem3A_252, %scatter3A_506, %scatter3A_507] : memref<2x64x128xf32, #tpu.memory_space<vmem>> -> memref<1x64x128xf32, #tpu.memory_space<vmem>>
          %scatter3A_509 = tpu.memref_squeeze %scatter3A_508 : memref<1x64x128xf32, #tpu.memory_space<vmem>> -> memref<64x128xf32, #tpu.memory_space<vmem>>
          tpu.vector_store_idx %scatter3A_509[%shift_right_logical3A_502, %and3A_505], %gather3A_489 : memref<64x128xf32, #tpu.memory_space<vmem>>[vector<16xi32>, vector<16xi32>], vector<16xf32>,
          %add3A_510 = arith.constant 6 : i32
          %add3A_511 = vector.broadcast %add3A_510 : i32 to vector<16xi32>
          %add3A_512 = arith.addi %get3A_368, %add3A_511 : vector<16xi32>
          %gather3A_513 = tpu.vector_load_idx %arg6[%add3A_359, %add3A_512] : memref<512x128xf32, #tpu.memory_space<vmem>>[vector<16xi32>, vector<16xi32>], vector<16xf32>,
          %mul3A_514 = arith.constant 256 : i32
          %mul3A_515 = arith.muli %mul3A_514, %add3A_355 : i32
          %mul3A_516 = arith.constant 16 : i32
          %mul3A_517 = vector.broadcast %mul3A_516 : i32 to vector<16xi32>
          %mul3A_518 = arith.muli %mul3A_517, %iota3A : vector<16xi32>
          %add3A_519 = vector.broadcast %mul3A_515 : i32 to vector<16xi32>
          %add3A_520 = arith.addi %add3A_519, %mul3A_518 : vector<16xi32>
          %add3A_521 = arith.constant 6 : i32
          %add3A_522 = vector.broadcast %add3A_521 : i32 to vector<16xi32>
          %add3A_523 = arith.addi %add3A_520, %add3A_522 : vector<16xi32>
          %shift_right_logical3A_524 = arith.constant 7 : i32
          %shift_right_logical3A_525 = vector.broadcast %shift_right_logical3A_524 : i32 to vector<16xi32>
          %shift_right_logical3A_526 = arith.shrui %add3A_523, %shift_right_logical3A_525 : vector<16xi32>
          %and3A_527 = arith.constant 127 : i32
          %and3A_528 = vector.broadcast %and3A_527 : i32 to vector<16xi32>
          %and3A_529 = arith.andi %add3A_523, %and3A_528 : vector<16xi32>
          %scatter3A_530 = arith.constant 0 : i32
          %scatter3A_531 = arith.constant 0 : i32
          %scatter3A_532 = tpu.memref_slice %run_scoped3A_10[%rem3A_252, %scatter3A_530, %scatter3A_531] : memref<2x64x128xf32, #tpu.memory_space<vmem>> -> memref<1x64x128xf32, #tpu.memory_space<vmem>>
          %scatter3A_533 = tpu.memref_squeeze %scatter3A_532 : memref<1x64x128xf32, #tpu.memory_space<vmem>> -> memref<64x128xf32, #tpu.memory_space<vmem>>
          tpu.vector_store_idx %scatter3A_533[%shift_right_logical3A_526, %and3A_529], %gather3A_513 : memref<64x128xf32, #tpu.memory_space<vmem>>[vector<16xi32>, vector<16xi32>], vector<16xf32>,
          %add3A_534 = arith.constant 7 : i32
          %add3A_535 = vector.broadcast %add3A_534 : i32 to vector<16xi32>
          %add3A_536 = arith.addi %get3A_368, %add3A_535 : vector<16xi32>
          %gather3A_537 = tpu.vector_load_idx %arg6[%add3A_359, %add3A_536] : memref<512x128xf32, #tpu.memory_space<vmem>>[vector<16xi32>, vector<16xi32>], vector<16xf32>,
          %mul3A_538 = arith.constant 256 : i32
          %mul3A_539 = arith.muli %mul3A_538, %add3A_355 : i32
          %mul3A_540 = arith.constant 16 : i32
          %mul3A_541 = vector.broadcast %mul3A_540 : i32 to vector<16xi32>
          %mul3A_542 = arith.muli %mul3A_541, %iota3A : vector<16xi32>
          %add3A_543 = vector.broadcast %mul3A_539 : i32 to vector<16xi32>
          %add3A_544 = arith.addi %add3A_543, %mul3A_542 : vector<16xi32>
          %add3A_545 = arith.constant 7 : i32
          %add3A_546 = vector.broadcast %add3A_545 : i32 to vector<16xi32>
          %add3A_547 = arith.addi %add3A_544, %add3A_546 : vector<16xi32>
          %shift_right_logical3A_548 = arith.constant 7 : i32
          %shift_right_logical3A_549 = vector.broadcast %shift_right_logical3A_548 : i32 to vector<16xi32>
          %shift_right_logical3A_550 = arith.shrui %add3A_547, %shift_right_logical3A_549 : vector<16xi32>
          %and3A_551 = arith.constant 127 : i32
          %and3A_552 = vector.broadcast %and3A_551 : i32 to vector<16xi32>
          %and3A_553 = arith.andi %add3A_547, %and3A_552 : vector<16xi32>
          %scatter3A_554 = arith.constant 0 : i32
          %scatter3A_555 = arith.constant 0 : i32
          %scatter3A_556 = tpu.memref_slice %run_scoped3A_10[%rem3A_252, %scatter3A_554, %scatter3A_555] : memref<2x64x128xf32, #tpu.memory_space<vmem>> -> memref<1x64x128xf32, #tpu.memory_space<vmem>>
          %scatter3A_557 = tpu.memref_squeeze %scatter3A_556 : memref<1x64x128xf32, #tpu.memory_space<vmem>> -> memref<64x128xf32, #tpu.memory_space<vmem>>
          tpu.vector_store_idx %scatter3A_557[%shift_right_logical3A_550, %and3A_553], %gather3A_537 : memref<64x128xf32, #tpu.memory_space<vmem>>[vector<16xi32>, vector<16xi32>], vector<16xf32>,
          %add3A_558 = arith.constant 8 : i32
          %add3A_559 = vector.broadcast %add3A_558 : i32 to vector<16xi32>
          %add3A_560 = arith.addi %get3A_368, %add3A_559 : vector<16xi32>
          %gather3A_561 = tpu.vector_load_idx %arg6[%add3A_359, %add3A_560] : memref<512x128xf32, #tpu.memory_space<vmem>>[vector<16xi32>, vector<16xi32>], vector<16xf32>,
          %mul3A_562 = arith.constant 256 : i32
          %mul3A_563 = arith.muli %mul3A_562, %add3A_355 : i32
          %mul3A_564 = arith.constant 16 : i32
          %mul3A_565 = vector.broadcast %mul3A_564 : i32 to vector<16xi32>
          %mul3A_566 = arith.muli %mul3A_565, %iota3A : vector<16xi32>
          %add3A_567 = vector.broadcast %mul3A_563 : i32 to vector<16xi32>
          %add3A_568 = arith.addi %add3A_567, %mul3A_566 : vector<16xi32>
          %add3A_569 = arith.constant 8 : i32
          %add3A_570 = vector.broadcast %add3A_569 : i32 to vector<16xi32>
          %add3A_571 = arith.addi %add3A_568, %add3A_570 : vector<16xi32>
          %shift_right_logical3A_572 = arith.constant 7 : i32
          %shift_right_logical3A_573 = vector.broadcast %shift_right_logical3A_572 : i32 to vector<16xi32>
          %shift_right_logical3A_574 = arith.shrui %add3A_571, %shift_right_logical3A_573 : vector<16xi32>
          %and3A_575 = arith.constant 127 : i32
          %and3A_576 = vector.broadcast %and3A_575 : i32 to vector<16xi32>
          %and3A_577 = arith.andi %add3A_571, %and3A_576 : vector<16xi32>
          %scatter3A_578 = arith.constant 0 : i32
          %scatter3A_579 = arith.constant 0 : i32
          %scatter3A_580 = tpu.memref_slice %run_scoped3A_10[%rem3A_252, %scatter3A_578, %scatter3A_579] : memref<2x64x128xf32, #tpu.memory_space<vmem>> -> memref<1x64x128xf32, #tpu.memory_space<vmem>>
          %scatter3A_581 = tpu.memref_squeeze %scatter3A_580 : memref<1x64x128xf32, #tpu.memory_space<vmem>> -> memref<64x128xf32, #tpu.memory_space<vmem>>
          tpu.vector_store_idx %scatter3A_581[%shift_right_logical3A_574, %and3A_577], %gather3A_561 : memref<64x128xf32, #tpu.memory_space<vmem>>[vector<16xi32>, vector<16xi32>], vector<16xf32>,
          %add3A_582 = arith.constant 9 : i32
          %add3A_583 = vector.broadcast %add3A_582 : i32 to vector<16xi32>
          %add3A_584 = arith.addi %get3A_368, %add3A_583 : vector<16xi32>
          %gather3A_585 = tpu.vector_load_idx %arg6[%add3A_359, %add3A_584] : memref<512x128xf32, #tpu.memory_space<vmem>>[vector<16xi32>, vector<16xi32>], vector<16xf32>,
          %mul3A_586 = arith.constant 256 : i32
          %mul3A_587 = arith.muli %mul3A_586, %add3A_355 : i32
          %mul3A_588 = arith.constant 16 : i32
          %mul3A_589 = vector.broadcast %mul3A_588 : i32 to vector<16xi32>
          %mul3A_590 = arith.muli %mul3A_589, %iota3A : vector<16xi32>
          %add3A_591 = vector.broadcast %mul3A_587 : i32 to vector<16xi32>
          %add3A_592 = arith.addi %add3A_591, %mul3A_590 : vector<16xi32>
          %add3A_593 = arith.constant 9 : i32
          %add3A_594 = vector.broadcast %add3A_593 : i32 to vector<16xi32>
          %add3A_595 = arith.addi %add3A_592, %add3A_594 : vector<16xi32>
          %shift_right_logical3A_596 = arith.constant 7 : i32
          %shift_right_logical3A_597 = vector.broadcast %shift_right_logical3A_596 : i32 to vector<16xi32>
          %shift_right_logical3A_598 = arith.shrui %add3A_595, %shift_right_logical3A_597 : vector<16xi32>
          %and3A_599 = arith.constant 127 : i32
          %and3A_600 = vector.broadcast %and3A_599 : i32 to vector<16xi32>
          %and3A_601 = arith.andi %add3A_595, %and3A_600 : vector<16xi32>
          %scatter3A_602 = arith.constant 0 : i32
          %scatter3A_603 = arith.constant 0 : i32
          %scatter3A_604 = tpu.memref_slice %run_scoped3A_10[%rem3A_252, %scatter3A_602, %scatter3A_603] : memref<2x64x128xf32, #tpu.memory_space<vmem>> -> memref<1x64x128xf32, #tpu.memory_space<vmem>>
          %scatter3A_605 = tpu.memref_squeeze %scatter3A_604 : memref<1x64x128xf32, #tpu.memory_space<vmem>> -> memref<64x128xf32, #tpu.memory_space<vmem>>
          tpu.vector_store_idx %scatter3A_605[%shift_right_logical3A_598, %and3A_601], %gather3A_585 : memref<64x128xf32, #tpu.memory_space<vmem>>[vector<16xi32>, vector<16xi32>], vector<16xf32>,
          %add3A_606 = arith.constant 10 : i32
          %add3A_607 = vector.broadcast %add3A_606 : i32 to vector<16xi32>
          %add3A_608 = arith.addi %get3A_368, %add3A_607 : vector<16xi32>
          %gather3A_609 = tpu.vector_load_idx %arg6[%add3A_359, %add3A_608] : memref<512x128xf32, #tpu.memory_space<vmem>>[vector<16xi32>, vector<16xi32>], vector<16xf32>,
          %mul3A_610 = arith.constant 256 : i32
          %mul3A_611 = arith.muli %mul3A_610, %add3A_355 : i32
          %mul3A_612 = arith.constant 16 : i32
          %mul3A_613 = vector.broadcast %mul3A_612 : i32 to vector<16xi32>
          %mul3A_614 = arith.muli %mul3A_613, %iota3A : vector<16xi32>
          %add3A_615 = vector.broadcast %mul3A_611 : i32 to vector<16xi32>
          %add3A_616 = arith.addi %add3A_615, %mul3A_614 : vector<16xi32>
          %add3A_617 = arith.constant 10 : i32
          %add3A_618 = vector.broadcast %add3A_617 : i32 to vector<16xi32>
          %add3A_619 = arith.addi %add3A_616, %add3A_618 : vector<16xi32>
          %shift_right_logical3A_620 = arith.constant 7 : i32
          %shift_right_logical3A_621 = vector.broadcast %shift_right_logical3A_620 : i32 to vector<16xi32>
          %shift_right_logical3A_622 = arith.shrui %add3A_619, %shift_right_logical3A_621 : vector<16xi32>
          %and3A_623 = arith.constant 127 : i32
          %and3A_624 = vector.broadcast %and3A_623 : i32 to vector<16xi32>
          %and3A_625 = arith.andi %add3A_619, %and3A_624 : vector<16xi32>
          %scatter3A_626 = arith.constant 0 : i32
          %scatter3A_627 = arith.constant 0 : i32
          %scatter3A_628 = tpu.memref_slice %run_scoped3A_10[%rem3A_252, %scatter3A_626, %scatter3A_627] : memref<2x64x128xf32, #tpu.memory_space<vmem>> -> memref<1x64x128xf32, #tpu.memory_space<vmem>>
          %scatter3A_629 = tpu.memref_squeeze %scatter3A_628 : memref<1x64x128xf32, #tpu.memory_space<vmem>> -> memref<64x128xf32, #tpu.memory_space<vmem>>
          tpu.vector_store_idx %scatter3A_629[%shift_right_logical3A_622, %and3A_625], %gather3A_609 : memref<64x128xf32, #tpu.memory_space<vmem>>[vector<16xi32>, vector<16xi32>], vector<16xf32>,
          %add3A_630 = arith.constant 11 : i32
          %add3A_631 = vector.broadcast %add3A_630 : i32 to vector<16xi32>
          %add3A_632 = arith.addi %get3A_368, %add3A_631 : vector<16xi32>
          %gather3A_633 = tpu.vector_load_idx %arg6[%add3A_359, %add3A_632] : memref<512x128xf32, #tpu.memory_space<vmem>>[vector<16xi32>, vector<16xi32>], vector<16xf32>,
          %mul3A_634 = arith.constant 256 : i32
          %mul3A_635 = arith.muli %mul3A_634, %add3A_355 : i32
          %mul3A_636 = arith.constant 16 : i32
          %mul3A_637 = vector.broadcast %mul3A_636 : i32 to vector<16xi32>
          %mul3A_638 = arith.muli %mul3A_637, %iota3A : vector<16xi32>
          %add3A_639 = vector.broadcast %mul3A_635 : i32 to vector<16xi32>
          %add3A_640 = arith.addi %add3A_639, %mul3A_638 : vector<16xi32>
          %add3A_641 = arith.constant 11 : i32
          %add3A_642 = vector.broadcast %add3A_641 : i32 to vector<16xi32>
          %add3A_643 = arith.addi %add3A_640, %add3A_642 : vector<16xi32>
          %shift_right_logical3A_644 = arith.constant 7 : i32
          %shift_right_logical3A_645 = vector.broadcast %shift_right_logical3A_644 : i32 to vector<16xi32>
          %shift_right_logical3A_646 = arith.shrui %add3A_643, %shift_right_logical3A_645 : vector<16xi32>
          %and3A_647 = arith.constant 127 : i32
          %and3A_648 = vector.broadcast %and3A_647 : i32 to vector<16xi32>
          %and3A_649 = arith.andi %add3A_643, %and3A_648 : vector<16xi32>
          %scatter3A_650 = arith.constant 0 : i32
          %scatter3A_651 = arith.constant 0 : i32
          %scatter3A_652 = tpu.memref_slice %run_scoped3A_10[%rem3A_252, %scatter3A_650, %scatter3A_651] : memref<2x64x128xf32, #tpu.memory_space<vmem>> -> memref<1x64x128xf32, #tpu.memory_space<vmem>>
          %scatter3A_653 = tpu.memref_squeeze %scatter3A_652 : memref<1x64x128xf32, #tpu.memory_space<vmem>> -> memref<64x128xf32, #tpu.memory_space<vmem>>
          tpu.vector_store_idx %scatter3A_653[%shift_right_logical3A_646, %and3A_649], %gather3A_633 : memref<64x128xf32, #tpu.memory_space<vmem>>[vector<16xi32>, vector<16xi32>], vector<16xf32>,
          %add3A_654 = arith.constant 12 : i32
          %add3A_655 = vector.broadcast %add3A_654 : i32 to vector<16xi32>
          %add3A_656 = arith.addi %get3A_368, %add3A_655 : vector<16xi32>
          %gather3A_657 = tpu.vector_load_idx %arg6[%add3A_359, %add3A_656] : memref<512x128xf32, #tpu.memory_space<vmem>>[vector<16xi32>, vector<16xi32>], vector<16xf32>,
          %mul3A_658 = arith.constant 256 : i32
          %mul3A_659 = arith.muli %mul3A_658, %add3A_355 : i32
          %mul3A_660 = arith.constant 16 : i32
          %mul3A_661 = vector.broadcast %mul3A_660 : i32 to vector<16xi32>
          %mul3A_662 = arith.muli %mul3A_661, %iota3A : vector<16xi32>
          %add3A_663 = vector.broadcast %mul3A_659 : i32 to vector<16xi32>
          %add3A_664 = arith.addi %add3A_663, %mul3A_662 : vector<16xi32>
          %add3A_665 = arith.constant 12 : i32
          %add3A_666 = vector.broadcast %add3A_665 : i32 to vector<16xi32>
          %add3A_667 = arith.addi %add3A_664, %add3A_666 : vector<16xi32>
          %shift_right_logical3A_668 = arith.constant 7 : i32
          %shift_right_logical3A_669 = vector.broadcast %shift_right_logical3A_668 : i32 to vector<16xi32>
          %shift_right_logical3A_670 = arith.shrui %add3A_667, %shift_right_logical3A_669 : vector<16xi32>
          %and3A_671 = arith.constant 127 : i32
          %and3A_672 = vector.broadcast %and3A_671 : i32 to vector<16xi32>
          %and3A_673 = arith.andi %add3A_667, %and3A_672 : vector<16xi32>
          %scatter3A_674 = arith.constant 0 : i32
          %scatter3A_675 = arith.constant 0 : i32
          %scatter3A_676 = tpu.memref_slice %run_scoped3A_10[%rem3A_252, %scatter3A_674, %scatter3A_675] : memref<2x64x128xf32, #tpu.memory_space<vmem>> -> memref<1x64x128xf32, #tpu.memory_space<vmem>>
          %scatter3A_677 = tpu.memref_squeeze %scatter3A_676 : memref<1x64x128xf32, #tpu.memory_space<vmem>> -> memref<64x128xf32, #tpu.memory_space<vmem>>
          tpu.vector_store_idx %scatter3A_677[%shift_right_logical3A_670, %and3A_673], %gather3A_657 : memref<64x128xf32, #tpu.memory_space<vmem>>[vector<16xi32>, vector<16xi32>], vector<16xf32>,
          %add3A_678 = arith.constant 13 : i32
          %add3A_679 = vector.broadcast %add3A_678 : i32 to vector<16xi32>
          %add3A_680 = arith.addi %get3A_368, %add3A_679 : vector<16xi32>
          %gather3A_681 = tpu.vector_load_idx %arg6[%add3A_359, %add3A_680] : memref<512x128xf32, #tpu.memory_space<vmem>>[vector<16xi32>, vector<16xi32>], vector<16xf32>,
          %mul3A_682 = arith.constant 256 : i32
          %mul3A_683 = arith.muli %mul3A_682, %add3A_355 : i32
          %mul3A_684 = arith.constant 16 : i32
          %mul3A_685 = vector.broadcast %mul3A_684 : i32 to vector<16xi32>
          %mul3A_686 = arith.muli %mul3A_685, %iota3A : vector<16xi32>
          %add3A_687 = vector.broadcast %mul3A_683 : i32 to vector<16xi32>
          %add3A_688 = arith.addi %add3A_687, %mul3A_686 : vector<16xi32>
          %add3A_689 = arith.constant 13 : i32
          %add3A_690 = vector.broadcast %add3A_689 : i32 to vector<16xi32>
          %add3A_691 = arith.addi %add3A_688, %add3A_690 : vector<16xi32>
          %shift_right_logical3A_692 = arith.constant 7 : i32
          %shift_right_logical3A_693 = vector.broadcast %shift_right_logical3A_692 : i32 to vector<16xi32>
          %shift_right_logical3A_694 = arith.shrui %add3A_691, %shift_right_logical3A_693 : vector<16xi32>
          %and3A_695 = arith.constant 127 : i32
          %and3A_696 = vector.broadcast %and3A_695 : i32 to vector<16xi32>
          %and3A_697 = arith.andi %add3A_691, %and3A_696 : vector<16xi32>
          %scatter3A_698 = arith.constant 0 : i32
          %scatter3A_699 = arith.constant 0 : i32
          %scatter3A_700 = tpu.memref_slice %run_scoped3A_10[%rem3A_252, %scatter3A_698, %scatter3A_699] : memref<2x64x128xf32, #tpu.memory_space<vmem>> -> memref<1x64x128xf32, #tpu.memory_space<vmem>>
          %scatter3A_701 = tpu.memref_squeeze %scatter3A_700 : memref<1x64x128xf32, #tpu.memory_space<vmem>> -> memref<64x128xf32, #tpu.memory_space<vmem>>
          tpu.vector_store_idx %scatter3A_701[%shift_right_logical3A_694, %and3A_697], %gather3A_681 : memref<64x128xf32, #tpu.memory_space<vmem>>[vector<16xi32>, vector<16xi32>], vector<16xf32>,
          %add3A_702 = arith.constant 14 : i32
          %add3A_703 = vector.broadcast %add3A_702 : i32 to vector<16xi32>
          %add3A_704 = arith.addi %get3A_368, %add3A_703 : vector<16xi32>
          %gather3A_705 = tpu.vector_load_idx %arg6[%add3A_359, %add3A_704] : memref<512x128xf32, #tpu.memory_space<vmem>>[vector<16xi32>, vector<16xi32>], vector<16xf32>,
          %mul3A_706 = arith.constant 256 : i32
          %mul3A_707 = arith.muli %mul3A_706, %add3A_355 : i32
          %mul3A_708 = arith.constant 16 : i32
          %mul3A_709 = vector.broadcast %mul3A_708 : i32 to vector<16xi32>
          %mul3A_710 = arith.muli %mul3A_709, %iota3A : vector<16xi32>
          %add3A_711 = vector.broadcast %mul3A_707 : i32 to vector<16xi32>
          %add3A_712 = arith.addi %add3A_711, %mul3A_710 : vector<16xi32>
          %add3A_713 = arith.constant 14 : i32
          %add3A_714 = vector.broadcast %add3A_713 : i32 to vector<16xi32>
          %add3A_715 = arith.addi %add3A_712, %add3A_714 : vector<16xi32>
          %shift_right_logical3A_716 = arith.constant 7 : i32
          %shift_right_logical3A_717 = vector.broadcast %shift_right_logical3A_716 : i32 to vector<16xi32>
          %shift_right_logical3A_718 = arith.shrui %add3A_715, %shift_right_logical3A_717 : vector<16xi32>
          %and3A_719 = arith.constant 127 : i32
          %and3A_720 = vector.broadcast %and3A_719 : i32 to vector<16xi32>
          %and3A_721 = arith.andi %add3A_715, %and3A_720 : vector<16xi32>
          %scatter3A_722 = arith.constant 0 : i32
          %scatter3A_723 = arith.constant 0 : i32
          %scatter3A_724 = tpu.memref_slice %run_scoped3A_10[%rem3A_252, %scatter3A_722, %scatter3A_723] : memref<2x64x128xf32, #tpu.memory_space<vmem>> -> memref<1x64x128xf32, #tpu.memory_space<vmem>>
          %scatter3A_725 = tpu.memref_squeeze %scatter3A_724 : memref<1x64x128xf32, #tpu.memory_space<vmem>> -> memref<64x128xf32, #tpu.memory_space<vmem>>
          tpu.vector_store_idx %scatter3A_725[%shift_right_logical3A_718, %and3A_721], %gather3A_705 : memref<64x128xf32, #tpu.memory_space<vmem>>[vector<16xi32>, vector<16xi32>], vector<16xf32>,
          %add3A_726 = arith.constant 15 : i32
          %add3A_727 = vector.broadcast %add3A_726 : i32 to vector<16xi32>
          %add3A_728 = arith.addi %get3A_368, %add3A_727 : vector<16xi32>
          %gather3A_729 = tpu.vector_load_idx %arg6[%add3A_359, %add3A_728] : memref<512x128xf32, #tpu.memory_space<vmem>>[vector<16xi32>, vector<16xi32>], vector<16xf32>,
          %mul3A_730 = arith.constant 256 : i32
          %mul3A_731 = arith.muli %mul3A_730, %add3A_355 : i32
          %mul3A_732 = arith.constant 16 : i32
          %mul3A_733 = vector.broadcast %mul3A_732 : i32 to vector<16xi32>
          %mul3A_734 = arith.muli %mul3A_733, %iota3A : vector<16xi32>
          %add3A_735 = vector.broadcast %mul3A_731 : i32 to vector<16xi32>
          %add3A_736 = arith.addi %add3A_735, %mul3A_734 : vector<16xi32>
          %add3A_737 = arith.constant 15 : i32
          %add3A_738 = vector.broadcast %add3A_737 : i32 to vector<16xi32>
          %add3A_739 = arith.addi %add3A_736, %add3A_738 : vector<16xi32>
          %shift_right_logical3A_740 = arith.constant 7 : i32
          %shift_right_logical3A_741 = vector.broadcast %shift_right_logical3A_740 : i32 to vector<16xi32>
          %shift_right_logical3A_742 = arith.shrui %add3A_739, %shift_right_logical3A_741 : vector<16xi32>
          %and3A_743 = arith.constant 127 : i32
          %and3A_744 = vector.broadcast %and3A_743 : i32 to vector<16xi32>
          %and3A_745 = arith.andi %add3A_739, %and3A_744 : vector<16xi32>
          %scatter3A_746 = arith.constant 0 : i32
          %scatter3A_747 = arith.constant 0 : i32
          %scatter3A_748 = tpu.memref_slice %run_scoped3A_10[%rem3A_252, %scatter3A_746, %scatter3A_747] : memref<2x64x128xf32, #tpu.memory_space<vmem>> -> memref<1x64x128xf32, #tpu.memory_space<vmem>>
          %scatter3A_749 = tpu.memref_squeeze %scatter3A_748 : memref<1x64x128xf32, #tpu.memory_space<vmem>> -> memref<64x128xf32, #tpu.memory_space<vmem>>
          tpu.vector_store_idx %scatter3A_749[%shift_right_logical3A_742, %and3A_745], %gather3A_729 : memref<64x128xf32, #tpu.memory_space<vmem>>[vector<16xi32>, vector<16xi32>], vector<16xf32>,
        }
        %scan3A_258 = arith.constant 32 : i32
        "tpu.trace_stop"() : () -> ()
        %ne3A_259 = arith.cmpi ne, %add3A_161, %add3A_179 : i32
        %or3A_260 = arith.constant false
        %or3A_261 = arith.ori %or3A_260, %ne3A_259 : i1
        %or3A_262 = arith.ori %or3A_261, %eq3A_160 : i1
        %convert_element_type3A_263 = arith.extui %or3A_262 : i1 to i32
        %cond3A_264 = arith.constant 0 : i32
        %cond3A_265 = arith.cmpi ne, %convert_element_type3A_263, %cond3A_264 : i32
        scf.if %cond3A_265 {
        } else {
        }
        %and3A_266 = arith.constant false
        %and3A_267 = arith.andi %or3A_262, %and3A_266 : i1
        %ne3A_268 = arith.cmpi ne, %add3A_161, %add3A_179 : i32
        %or3A_269 = arith.constant false
        %or3A_270 = arith.ori %or3A_269, %ne3A_268 : i1
        %or3A_271 = arith.ori %or3A_270, %eq3A_160 : i1
        %convert_element_type3A_272 = arith.extui %or3A_271 : i1 to i32
        %cond3A_273 = arith.constant 0 : i32
        %cond3A_274 = arith.cmpi ne, %convert_element_type3A_272, %cond3A_273 : i32
        scf.if %cond3A_274 {
        } else {
        }
        %and3A_275 = arith.constant false
        %and3A_276 = arith.andi %or3A_271, %and3A_275 : i1
        %ne3A_277 = arith.cmpi ne, %add3A_161, %add3A_179 : i32
        %or3A_278 = arith.constant false
        %or3A_279 = arith.ori %or3A_278, %ne3A_277 : i1
        %or3A_280 = arith.constant false
        %or3A_281 = arith.ori %or3A_279, %or3A_280 : i1
        %or3A_282 = arith.ori %or3A_281, %eq3A_160 : i1
        %convert_element_type3A_283 = arith.extui %or3A_282 : i1 to i32
        %cond3A_284 = arith.constant 0 : i32
        %cond3A_285 = arith.cmpi ne, %convert_element_type3A_283, %cond3A_284 : i32
        scf.if %cond3A_285 {
          "tpu.trace_start"() <{level = 10 : i32, message = "ep_copy_out"}> : () -> ()
          %rem3A_351 = arith.constant 2 : i32
          %rem3A_352 = arith.remui %scan3A_154, %rem3A_351 : i32
          %mul3A_353 = arith.constant 64 : i32
          %mul3A_354 = arith.muli %mul3A_353, %add3A_161 : i32
          %dma_start3A_355 = arith.constant 0 : i32
          %dma_start3A_356 = arith.constant 0 : i32
          %dma_start3A_357 = tpu.memref_slice %run_scoped3A_10[%rem3A_352, %dma_start3A_355, %dma_start3A_356] : memref<2x64x128xf32, #tpu.memory_space<vmem>> -> memref<1x64x128xf32, #tpu.memory_space<vmem>>
          %dma_start3A_358 = tpu.memref_squeeze %dma_start3A_357 : memref<1x64x128xf32, #tpu.memory_space<vmem>> -> memref<64x128xf32, #tpu.memory_space<vmem>>
          %dma_start3A_359 = arith.constant 0 : i32
          %dma_start3A_360 = tpu.memref_slice %arg5[%mul3A_354, %dma_start3A_359] : memref<53248x128xf32, #tpu.memory_space<hbm>> -> memref<64x128xf32, #tpu.memory_space<hbm>>
          %dma_start3A_361 = tpu.memref_slice %run_scoped3A_11[%rem3A_352] : memref<2x!tpu.dma_semaphore, #tpu.memory_space<semaphore_mem>> -> memref<1x!tpu.dma_semaphore, #tpu.memory_space<semaphore_mem>>
          %dma_start3A_362 = tpu.memref_squeeze %dma_start3A_361 : memref<1x!tpu.dma_semaphore, #tpu.memory_space<semaphore_mem>> -> memref<!tpu.dma_semaphore, #tpu.memory_space<semaphore_mem>>
          %dma_start3A_363 = arith.constant 0 : i32
          %dma_start3A_364 = tpu.memref_slice %arg5[%mul3A_354, %dma_start3A_363] : memref<53248x128xf32, #tpu.memory_space<hbm>> -> memref<64x128xf32, #tpu.memory_space<hbm>>
          %dma_start3A_365 = arith.constant 0 : i32
          %dma_start3A_366 = arith.constant 0 : i32
          %dma_start3A_367 = tpu.memref_slice %run_scoped3A_10[%rem3A_352, %dma_start3A_365, %dma_start3A_366] : memref<2x64x128xf32, #tpu.memory_space<vmem>> -> memref<1x64x128xf32, #tpu.memory_space<vmem>>
          %dma_start3A_368 = tpu.memref_squeeze %dma_start3A_367 : memref<1x64x128xf32, #tpu.memory_space<vmem>> -> memref<64x128xf32, #tpu.memory_space<vmem>>
          tpu.enqueue_dma source(%dma_start3A_368 : memref<64x128xf32, #tpu.memory_space<vmem>>) target(%dma_start3A_364 : memref<64x128xf32, #tpu.memory_space<hbm>>) target_semaphore(%dma_start3A_362 : memref<!tpu.dma_semaphore, #tpu.memory_space<semaphore_mem>>)
          "tpu.trace_stop"() : () -> ()
        } else {
        }
        %and3A_286 = arith.constant true
        %and3A_287 = arith.andi %or3A_282, %and3A_286 : i1
        %add3A_288 = arith.constant 1 : i32
        %add3A_289 = arith.addi %scan3A_154, %add3A_288 : i32
        %select_n3A_290 = arith.select %and3A_287, %add3A_289, %scan3A_154 : i32
        %ne3A_291 = arith.cmpi ne, %add3A_161, %add3A_170 : i32
        %or3A_292 = arith.constant false
        %or3A_293 = arith.ori %or3A_292, %ne3A_291 : i1
        %not3A_294 = arith.constant true
        %not3A_295 = arith.xori %eq3A_158, %not3A_294 : i1
        %and3A_296 = arith.andi %or3A_293, %not3A_295 : i1
        %convert_element_type3A_297 = arith.extui %and3A_296 : i1 to i32
        %cond3A_298 = arith.constant 0 : i32
        %cond3A_299 = arith.cmpi ne, %convert_element_type3A_297, %cond3A_298 : i32
        scf.if %cond3A_299 {
        } else {
        }
        %and3A_300 = arith.constant false
        %and3A_301 = arith.andi %and3A_296, %and3A_300 : i1
        %ne3A_302 = arith.cmpi ne, %add3A_161, %add3A_170 : i32
        %or3A_303 = arith.constant false
        %or3A_304 = arith.ori %or3A_303, %ne3A_302 : i1
        %not3A_305 = arith.constant true
        %not3A_306 = arith.xori %eq3A_158, %not3A_305 : i1
        %and3A_307 = arith.andi %or3A_304, %not3A_306 : i1
        %convert_element_type3A_308 = arith.extui %and3A_307 : i1 to i32
        %cond3A_309 = arith.constant 0 : i32
        %cond3A_310 = arith.cmpi ne, %convert_element_type3A_308, %cond3A_309 : i32
        scf.if %cond3A_310 {
        } else {
        }
        %and3A_311 = arith.constant false
        %and3A_312 = arith.andi %and3A_307, %and3A_311 : i1
        %ne3A_313 = arith.cmpi ne, %add3A_161, %add3A_170 : i32
        %or3A_314 = arith.constant false
        %or3A_315 = arith.ori %or3A_314, %ne3A_313 : i1
        %or3A_316 = arith.constant false
        %or3A_317 = arith.ori %or3A_315, %or3A_316 : i1
        %not3A_318 = arith.constant true
        %not3A_319 = arith.xori %eq3A_158, %not3A_318 : i1
        %and3A_320 = arith.andi %or3A_317, %not3A_319 : i1
        %convert_element_type3A_321 = arith.extui %and3A_320 : i1 to i32
        %cond3A_322 = arith.constant 0 : i32
        %cond3A_323 = arith.cmpi ne, %convert_element_type3A_321, %cond3A_322 : i32
        scf.if %cond3A_323 {
          "tpu.trace_start"() <{level = 10 : i32, message = "ep_wait_out"}> : () -> ()
          %rem3A_351 = arith.constant 2 : i32
          %rem3A_352 = arith.remui %scan3A_155, %rem3A_351 : i32
          %mul3A_353 = arith.constant 64 : i32
          %mul3A_354 = arith.muli %mul3A_353, %add3A_170 : i32
          %dma_wait3A_355 = arith.constant 0 : i32
          %dma_wait3A_356 = arith.constant 0 : i32
          %dma_wait3A_357 = tpu.memref_slice %run_scoped3A_10[%rem3A_352, %dma_wait3A_355, %dma_wait3A_356] : memref<2x64x128xf32, #tpu.memory_space<vmem>> -> memref<1x64x128xf32, #tpu.memory_space<vmem>>
          %dma_wait3A_358 = tpu.memref_squeeze %dma_wait3A_357 : memref<1x64x128xf32, #tpu.memory_space<vmem>> -> memref<64x128xf32, #tpu.memory_space<vmem>>
          %dma_wait3A_359 = arith.constant 0 : i32
          %dma_wait3A_360 = tpu.memref_slice %arg5[%mul3A_354, %dma_wait3A_359] : memref<53248x128xf32, #tpu.memory_space<hbm>> -> memref<64x128xf32, #tpu.memory_space<hbm>>
          %dma_wait3A_361 = tpu.memref_slice %run_scoped3A_11[%rem3A_352] : memref<2x!tpu.dma_semaphore, #tpu.memory_space<semaphore_mem>> -> memref<1x!tpu.dma_semaphore, #tpu.memory_space<semaphore_mem>>
          %dma_wait3A_362 = tpu.memref_squeeze %dma_wait3A_361 : memref<1x!tpu.dma_semaphore, #tpu.memory_space<semaphore_mem>> -> memref<!tpu.dma_semaphore, #tpu.memory_space<semaphore_mem>>
          %dma_wait3A_363 = arith.constant 0 : i32
          %dma_wait3A_364 = tpu.memref_slice %arg5[%mul3A_354, %dma_wait3A_363] : memref<53248x128xf32, #tpu.memory_space<hbm>> -> memref<64x128xf32, #tpu.memory_space<hbm>>
          %dma_wait3A_365 = arith.constant 0 : i32
          %dma_wait3A_366 = arith.constant 0 : i32
          %dma_wait3A_367 = tpu.memref_slice %run_scoped3A_10[%rem3A_352, %dma_wait3A_365, %dma_wait3A_366] : memref<2x64x128xf32, #tpu.memory_space<vmem>> -> memref<1x64x128xf32, #tpu.memory_space<vmem>>
          %dma_wait3A_368 = tpu.memref_squeeze %dma_wait3A_367 : memref<1x64x128xf32, #tpu.memory_space<vmem>> -> memref<64x128xf32, #tpu.memory_space<vmem>>
          tpu.wait_dma2 semaphore(%dma_wait3A_362 : memref<!tpu.dma_semaphore, #tpu.memory_space<semaphore_mem>>) src(%dma_wait3A_368 : memref<64x128xf32, #tpu.memory_space<vmem>>) dst(%dma_wait3A_364 : memref<64x128xf32, #tpu.memory_space<hbm>>)
          "tpu.trace_stop"() : () -> ()
        } else {
        }
        %and3A_324 = arith.constant true
        %and3A_325 = arith.andi %and3A_320, %and3A_324 : i1
        %add3A_326 = arith.constant 1 : i32
        %add3A_327 = arith.addi %scan3A_155, %add3A_326 : i32
        %select_n3A_328 = arith.select %and3A_325, %add3A_327, %scan3A_155 : i32
        %ne3A_329 = arith.cmpi ne, %add3A_161, %add3A_179 : i32
        %or3A_330 = arith.constant false
        %or3A_331 = arith.ori %or3A_330, %ne3A_329 : i1
        %or3A_332 = arith.ori %or3A_331, %eq3A_160 : i1
        %add3A_333 = arith.constant 1 : i32
        %add3A_334 = arith.addi %scan3A_151, %add3A_333 : i32
        %select_n3A_335 = arith.select %or3A_332, %add3A_334, %scan3A_151 : i32
        %ne3A_336 = arith.cmpi ne, %add3A_161, %add3A_179 : i32
        %or3A_337 = arith.constant false
        %or3A_338 = arith.ori %or3A_337, %ne3A_336 : i1
        %or3A_339 = arith.ori %or3A_338, %eq3A_160 : i1
        %add3A_340 = arith.constant 1 : i32
        %add3A_341 = arith.addi %scan3A_153, %add3A_340 : i32
        %select_n3A_342 = arith.select %or3A_339, %add3A_341, %scan3A_153 : i32
        %add3A_343 = arith.constant 1 : i32
        %add3A_344 = arith.addi %scan3A_156, %add3A_343 : i32
        %select_n3A_345 = arith.constant true
        %select_n3A_346 = arith.select %select_n3A_345, %add3A_344, %scan3A_156 : i32
        %eq3A_347 = arith.constant 26 : i32
        %eq3A_348 = arith.cmpi eq, %select_n3A_346, %eq3A_347 : i32
        %select_n3A_349 = arith.constant 0 : i32
        %select_n3A_350 = arith.select %eq3A_348, %select_n3A_349, %select_n3A_346 : i32
        scf.yield %select_n3A_197, %select_n3A_335, %select_n3A_213, %select_n3A_342, %select_n3A_290, %select_n3A_328, %select_n3A_350 : i32, i32, i32, i32, i32, i32, i32
      }
      %scan3A_96 = arith.constant 26 : i32
      %sub3A = arith.constant 1 : i32
      %sub3A_97 = arith.subi %scan3A_95#6, %sub3A : i32
      %select_n3A_98 = arith.constant true
      %select_n3A_99 = arith.select %select_n3A_98, %sub3A_97, %scan3A_95#6 : i32
      %eq3A_100 = arith.constant -1 : i32
      %eq3A_101 = arith.cmpi eq, %select_n3A_99, %eq3A_100 : i32
      %select_n3A_102 = arith.constant 25 : i32
      %select_n3A_103 = arith.select %eq3A_101, %select_n3A_102, %select_n3A_99 : i32
      %add3A_104 = arith.addi %select_n3A_103, %mul3A_6 : i32
      %sub3A_105 = arith.constant 1 : i32
      %sub3A_106 = arith.subi %select_n3A_103, %sub3A_105 : i32
      %select_n3A_107 = arith.constant true
      %select_n3A_108 = arith.select %select_n3A_107, %sub3A_106, %select_n3A_103 : i32
      %eq3A_109 = arith.constant -1 : i32
      %eq3A_110 = arith.cmpi eq, %select_n3A_108, %eq3A_109 : i32
      %select_n3A_111 = arith.constant 25 : i32
      %select_n3A_112 = arith.select %eq3A_110, %select_n3A_111, %select_n3A_108 : i32
      %add3A_113 = arith.addi %select_n3A_112, %mul3A_6 : i32
      %add3A_114 = arith.constant 1 : i32
      %add3A_115 = arith.addi %select_n3A_103, %add3A_114 : i32
      %select_n3A_116 = arith.constant true
      %select_n3A_117 = arith.select %select_n3A_116, %add3A_115, %select_n3A_103 : i32
      %eq3A_118 = arith.constant 26 : i32
      %eq3A_119 = arith.cmpi eq, %select_n3A_117, %eq3A_118 : i32
      %select_n3A_120 = arith.constant 0 : i32
      %select_n3A_121 = arith.select %eq3A_119, %select_n3A_120, %select_n3A_117 : i32
      %add3A_122 = arith.addi %select_n3A_121, %mul3A_6 : i32
      %add3A_123 = arith.constant 1 : i32
      %add3A_124 = arith.addi %select_n3A_121, %add3A_123 : i32
      %select_n3A_125 = arith.constant true
      %select_n3A_126 = arith.select %select_n3A_125, %add3A_124, %select_n3A_121 : i32
      %eq3A_127 = arith.constant 26 : i32
      %eq3A_128 = arith.cmpi eq, %select_n3A_126, %eq3A_127 : i32
      %select_n3A_129 = arith.constant 0 : i32
      %select_n3A_130 = arith.select %eq3A_128, %select_n3A_129, %select_n3A_126 : i32
      %add3A_131 = arith.addi %select_n3A_130, %mul3A_6 : i32
      "tpu.trace_start"() <{level = 10 : i32, message = "ep_finalize"}> : () -> ()
      %rem3A_132 = arith.constant 2 : i32
      %rem3A_133 = arith.remui %scan3A_95#5, %rem3A_132 : i32
      %mul3A_134 = arith.constant 64 : i32
      %mul3A_135 = arith.muli %mul3A_134, %add3A_104 : i32
      %dma_wait3A = arith.constant 0 : i32
      %dma_wait3A_136 = arith.constant 0 : i32
      %dma_wait3A_137 = tpu.memref_slice %run_scoped3A_10[%rem3A_133, %dma_wait3A, %dma_wait3A_136] : memref<2x64x128xf32, #tpu.memory_space<vmem>> -> memref<1x64x128xf32, #tpu.memory_space<vmem>>
      %dma_wait3A_138 = tpu.memref_squeeze %dma_wait3A_137 : memref<1x64x128xf32, #tpu.memory_space<vmem>> -> memref<64x128xf32, #tpu.memory_space<vmem>>
      %dma_wait3A_139 = arith.constant 0 : i32
      %dma_wait3A_140 = tpu.memref_slice %arg5[%mul3A_135, %dma_wait3A_139] : memref<53248x128xf32, #tpu.memory_space<hbm>> -> memref<64x128xf32, #tpu.memory_space<hbm>>
      %dma_wait3A_141 = tpu.memref_slice %run_scoped3A_11[%rem3A_133] : memref<2x!tpu.dma_semaphore, #tpu.memory_space<semaphore_mem>> -> memref<1x!tpu.dma_semaphore, #tpu.memory_space<semaphore_mem>>
      %dma_wait3A_142 = tpu.memref_squeeze %dma_wait3A_141 : memref<1x!tpu.dma_semaphore, #tpu.memory_space<semaphore_mem>> -> memref<!tpu.dma_semaphore, #tpu.memory_space<semaphore_mem>>
      %dma_wait3A_143 = arith.constant 0 : i32
      %dma_wait3A_144 = tpu.memref_slice %arg5[%mul3A_135, %dma_wait3A_143] : memref<53248x128xf32, #tpu.memory_space<hbm>> -> memref<64x128xf32, #tpu.memory_space<hbm>>
      %dma_wait3A_145 = arith.constant 0 : i32
      %dma_wait3A_146 = arith.constant 0 : i32
      %dma_wait3A_147 = tpu.memref_slice %run_scoped3A_10[%rem3A_133, %dma_wait3A_145, %dma_wait3A_146] : memref<2x64x128xf32, #tpu.memory_space<vmem>> -> memref<1x64x128xf32, #tpu.memory_space<vmem>>
      %dma_wait3A_148 = tpu.memref_squeeze %dma_wait3A_147 : memref<1x64x128xf32, #tpu.memory_space<vmem>> -> memref<64x128xf32, #tpu.memory_space<vmem>>
      tpu.wait_dma2 semaphore(%dma_wait3A_142 : memref<!tpu.dma_semaphore, #tpu.memory_space<semaphore_mem>>) src(%dma_wait3A_148 : memref<64x128xf32, #tpu.memory_space<vmem>>) dst(%dma_wait3A_144 : memref<64x128xf32, #tpu.memory_space<hbm>>)
      "tpu.trace_stop"() : () -> ()
      tpu.yield
    }) : () -> ()
    return
  }
}

module attributes {stable_mosaic.version = 14 : i64} {
  func.func @_tc_body(%arg0: i32, %arg1: memref<1024x416xf32, #tpu.memory_space<vmem>>, %arg2: memref<26x1024xf32, #tpu.memory_space<vmem>>, %arg3: memref<1024x1xf32, #tpu.memory_space<vmem>>, %arg4: memref<416x32xf32, #tpu.memory_space<vmem>>, %arg5: memref<1x32xf32, #tpu.memory_space<vmem>>, %arg6: memref<32x32xf32, #tpu.memory_space<vmem>>, %arg7: memref<1x32xf32, #tpu.memory_space<vmem>>, %arg8: memref<1x1xf32, #tpu.memory_space<vmem>>, %arg9: memref<1024x1xf32, #tpu.memory_space<vmem>>) attributes {dimension_semantics = [#tpu.dimension_semantics<arbitrary>], iteration_bounds = array<i64: 16>, scalar_prefetch = 0 : i64, scratch_operands = 0 : i64, tpu.core_type = #tpu.core_type<tc>, window_params = [{transform_indices = @transform_0, window_bounds = array<i64: 1024, 416>}, {transform_indices = @transform_1, window_bounds = array<i64: 26, 1024>}, {transform_indices = @transform_2, window_bounds = array<i64: 1024, 1>}, {pipeline_mode = #tpu.pipeline_mode<synchronous>, transform_indices = @transform_3, window_bounds = array<i64: 416, 32>}, {pipeline_mode = #tpu.pipeline_mode<synchronous>, transform_indices = @transform_4, window_bounds = array<i64: 1, 32>}, {pipeline_mode = #tpu.pipeline_mode<synchronous>, transform_indices = @transform_5, window_bounds = array<i64: 32, 32>}, {pipeline_mode = #tpu.pipeline_mode<synchronous>, transform_indices = @transform_6, window_bounds = array<i64: 1, 32>}, {pipeline_mode = #tpu.pipeline_mode<synchronous>, transform_indices = @transform_7, window_bounds = array<i64: 1, 1>}, {transform_indices = @transform_8, window_bounds = array<i64: 1024, 1>}]} {
    %get3A = arith.constant 0 : index
    %get3A_0 = arith.constant 0 : index
    %get3A_1 = vector.load %arg3[%get3A, %get3A_0] : memref<1024x1xf32, #tpu.memory_space<vmem>>, vector<1024x1xf32>
    %get3A_2 = arith.constant 0 : index
    %get3A_3 = arith.constant 0 : index
    %get3A_4 = vector.load %arg1[%get3A_2, %get3A_3] : memref<1024x416xf32, #tpu.memory_space<vmem>>, vector<1024x416xf32>
    %mul3A = vector.broadcast %get3A_1 : vector<1024x1xf32> to vector<1024x416xf32>
    %mul3A_5 = arith.mulf %get3A_4, %mul3A : vector<1024x416xf32>
    %get3A_6 = arith.constant 0 : index
    %get3A_7 = arith.constant 0 : index
    %get3A_8 = vector.load %arg4[%get3A_6, %get3A_7] : memref<416x32xf32, #tpu.memory_space<vmem>>, vector<416x32xf32>
    %dot_general3A = arith.constant dense<0.000000e+00> : vector<1024x32xf32>
    %dot_general3A_9 = tpu.matmul %mul3A_5, %get3A_8, %dot_general3A {dimension_numbers = #tpu.dot_dimension_numbers<[1], [0], [0], [1], [0, 0, 1, 1], [], []>, transpose_lhs_hint = false} : vector<1024x416xf32>, vector<416x32xf32>, vector<1024x32xf32> -> vector<1024x32xf32>
    %get3A_10 = arith.constant 0 : index
    %get3A_11 = arith.constant 0 : index
    %get3A_12 = vector.load %arg5[%get3A_10, %get3A_11] : memref<1x32xf32, #tpu.memory_space<vmem>>, vector<1x32xf32>
    %add3A = vector.broadcast %get3A_12 : vector<1x32xf32> to vector<1024x32xf32>
    %add3A_13 = arith.addf %dot_general3A_9, %add3A : vector<1024x32xf32>
    %max3A = arith.constant 0.000000e+00 : f32
    %max3A_14 = vector.broadcast %max3A : f32 to vector<1024x32xf32>
    %max3A_15 = arith.maximumf %add3A_13, %max3A_14 : vector<1024x32xf32>
    %get3A_16 = arith.constant 0 : index
    %get3A_17 = arith.constant 0 : index
    %get3A_18 = vector.load %arg6[%get3A_16, %get3A_17] : memref<32x32xf32, #tpu.memory_space<vmem>>, vector<32x32xf32>
    %dot_general3A_19 = arith.constant dense<0.000000e+00> : vector<1024x32xf32>
    %dot_general3A_20 = tpu.matmul %max3A_15, %get3A_18, %dot_general3A_19 {dimension_numbers = #tpu.dot_dimension_numbers<[1], [0], [0], [1], [0, 0, 1, 1], [], []>, transpose_lhs_hint = false} : vector<1024x32xf32>, vector<32x32xf32>, vector<1024x32xf32> -> vector<1024x32xf32>
    %get3A_21 = arith.constant 0 : index
    %get3A_22 = arith.constant 0 : index
    %get3A_23 = vector.load %arg7[%get3A_21, %get3A_22] : memref<1x32xf32, #tpu.memory_space<vmem>>, vector<1x32xf32>
    %add3A_24 = vector.broadcast %get3A_23 : vector<1x32xf32> to vector<1024x32xf32>
    %add3A_25 = arith.addf %dot_general3A_20, %add3A_24 : vector<1024x32xf32>
    %max3A_26 = arith.constant 0.000000e+00 : f32
    %max3A_27 = vector.broadcast %max3A_26 : f32 to vector<1024x32xf32>
    %max3A_28 = arith.maximumf %add3A_25, %max3A_27 : vector<1024x32xf32>
    %reduce_sum3A = arith.constant dense<0.000000e+00> : vector<1024xf32>
    %reduce_sum3A_29 = vector.multi_reduction <add>, %max3A_28, %reduce_sum3A [1] : vector<1024x32xf32> to vector<1024xf32>
    %broadcast_in_dim3A = vector.shape_cast %reduce_sum3A_29 : vector<1024xf32> to vector<1024x1xf32>
    %iota3A = tpu.iota {dimensions = array<i32: 0>} : vector<416x16xi32>
    %iota3A_30 = tpu.iota {dimensions = array<i32: 1>} : vector<416x16xi32>
    %jit3A = arith.constant 16 : i32
    %eq3A = arith.constant 0 : i32
    %eq3A_31 = arith.cmpi eq, %jit3A, %eq3A : i32
    %jit3A_32 = arith.constant 1 : i32
    %select_n3A = arith.select %eq3A_31, %jit3A_32, %jit3A : i32
    %rem3A = vector.broadcast %select_n3A : i32 to vector<416x16xi32>
    %rem3A_33 = arith.remsi %iota3A, %rem3A : vector<416x16xi32>
    %ne3A = arith.constant 0 : i32
    %ne3A_34 = vector.broadcast %ne3A : i32 to vector<416x16xi32>
    %ne3A_35 = arith.cmpi ne, %rem3A_33, %ne3A_34 : vector<416x16xi32>
    %lt3A = arith.constant 0 : i32
    %lt3A_36 = vector.broadcast %lt3A : i32 to vector<416x16xi32>
    %lt3A_37 = arith.cmpi slt, %rem3A_33, %lt3A_36 : vector<416x16xi32>
    %lt3A_38 = arith.constant 0 : i32
    %lt3A_39 = arith.cmpi slt, %select_n3A, %lt3A_38 : i32
    %ne3A_40 = vector.broadcast %lt3A_39 : i1 to vector<416x16xi1>
    %ne3A_41 = vector.broadcast %ne3A_40 : vector<416x16xi1> to vector<416x16xi1>
    %ne3A_42 = arith.xori %lt3A_37, %ne3A_41 : vector<416x16xi1>
    %and3A = arith.andi %ne3A_42, %ne3A_35 : vector<416x16xi1>
    %add3A_43 = vector.broadcast %select_n3A : i32 to vector<416x16xi32>
    %add3A_44 = arith.addi %rem3A_33, %add3A_43 : vector<416x16xi32>
    %select_n3A_45 = arith.select %and3A, %add3A_44, %rem3A_33 : vector<416x16xi1>, vector<416x16xi32>
    %eq3A_46 = arith.cmpi eq, %select_n3A_45, %iota3A_30 : vector<416x16xi32>
    %jit3A_47 = arith.constant 1.000000e+00 : f32
    %jit3A_48 = arith.constant 0.000000e+00 : f32
    %broadcast_in_dim3A_49 = vector.broadcast %jit3A_47 : f32 to vector<416x16xf32>
    %broadcast_in_dim3A_50 = vector.broadcast %jit3A_48 : f32 to vector<416x16xf32>
    %select_n3A_51 = arith.select %eq3A_46, %broadcast_in_dim3A_49, %broadcast_in_dim3A_50 : vector<416x16xi1>, vector<416x16xf32>
    %dot_general3A_52 = arith.constant dense<0.000000e+00> : vector<1024x16xf32>
    %dot_general3A_53 = tpu.matmul %mul3A_5, %select_n3A_51, %dot_general3A_52 {dimension_numbers = #tpu.dot_dimension_numbers<[1], [0], [0], [1], [0, 0, 1, 1], [], []>, transpose_lhs_hint = false} : vector<1024x416xf32>, vector<416x16xf32>, vector<1024x16xf32> -> vector<1024x16xf32>
    %mul3A_54 = arith.mulf %dot_general3A_53, %dot_general3A_53 : vector<1024x16xf32>
    %reduce_sum3A_55 = arith.constant dense<0.000000e+00> : vector<1024xf32>
    %reduce_sum3A_56 = vector.multi_reduction <add>, %mul3A_54, %reduce_sum3A_55 [1] : vector<1024x16xf32> to vector<1024xf32>
    %broadcast_in_dim3A_57 = vector.shape_cast %reduce_sum3A_56 : vector<1024xf32> to vector<1024x1xf32>
    %mul3A_58 = arith.mulf %mul3A_5, %mul3A_5 : vector<1024x416xf32>
    %reduce_sum3A_59 = arith.constant dense<0.000000e+00> : vector<1024xf32>
    %reduce_sum3A_60 = vector.multi_reduction <add>, %mul3A_58, %reduce_sum3A_59 [1] : vector<1024x416xf32> to vector<1024xf32>
    %broadcast_in_dim3A_61 = vector.shape_cast %reduce_sum3A_60 : vector<1024xf32> to vector<1024x1xf32>
    %sub3A = arith.subf %broadcast_in_dim3A_57, %broadcast_in_dim3A_61 : vector<1024x1xf32>
    %mul3A_62 = arith.constant 5.000000e-01 : f32
    %mul3A_63 = vector.broadcast %mul3A_62 : f32 to vector<1024x1xf32>
    %mul3A_64 = arith.mulf %mul3A_63, %sub3A : vector<1024x1xf32>
    %broadcast_in_dim3A_65 = arith.constant 1.000000e+00 : f32
    %broadcast_in_dim3A_66 = vector.broadcast %broadcast_in_dim3A_65 : f32 to vector<26x1xf32>
    %get3A_67 = arith.constant 0 : index
    %get3A_68 = arith.constant 0 : index
    %get3A_69 = vector.load %arg2[%get3A_67, %get3A_68] : memref<26x1024xf32, #tpu.memory_space<vmem>>, vector<26x1024xf32>
    %dot_general3A_70 = arith.constant dense<0.000000e+00> : vector<1024x1xf32>
    %dot_general3A_71 = tpu.matmul %get3A_69, %broadcast_in_dim3A_66, %dot_general3A_70 {dimension_numbers = #tpu.dot_dimension_numbers<[0], [0], [1], [1], [0, 1, 1, 1], [], []>, transpose_lhs_hint = false} : vector<26x1024xf32>, vector<26x1xf32>, vector<1024x1xf32> -> vector<1024x1xf32>
    %add3A_72 = arith.addf %broadcast_in_dim3A, %mul3A_64 : vector<1024x1xf32>
    %mul3A_73 = arith.mulf %dot_general3A_71, %get3A_1 : vector<1024x1xf32>
    %add3A_74 = arith.addf %add3A_72, %mul3A_73 : vector<1024x1xf32>
    %get3A_75 = arith.constant 0 : index
    %get3A_76 = arith.constant 0 : index
    %get3A_77 = vector.load %arg8[%get3A_75, %get3A_76] : memref<1x1xf32, #tpu.memory_space<vmem>>, vector<1x1xf32>
    %add3A_78 = vector.broadcast %get3A_77 : vector<1x1xf32> to vector<1024x1xf32>
    %add3A_79 = arith.addf %add3A_74, %add3A_78 : vector<1024x1xf32>
    %swap3A = arith.constant 0 : index
    %swap3A_80 = arith.constant 0 : index
    %swap3A_81 = vector.load %arg9[%swap3A, %swap3A_80] : memref<1024x1xf32, #tpu.memory_space<vmem>>, vector<1024x1xf32>
    tpu.vector_store %arg9[%swap3A, %swap3A_80], %add3A_79 {strides = array<i32>} : memref<1024x1xf32, #tpu.memory_space<vmem>>, vector<1024x1xf32>,
    return
  }
  func.func @transform_0(%arg0: i32) -> (i32, i32) {
    %c0_i32 = arith.constant 0 : i32
    %c0_i32_0 = arith.constant 0 : i32
    return %arg0, %c0_i32 : i32, i32
  }
  func.func @transform_1(%arg0: i32) -> (i32, i32) {
    %c0_i32 = arith.constant 0 : i32
    %c0_i32_0 = arith.constant 0 : i32
    return %c0_i32, %arg0 : i32, i32
  }
  func.func @transform_2(%arg0: i32) -> (i32, i32) {
    %c0_i32 = arith.constant 0 : i32
    %c0_i32_0 = arith.constant 0 : i32
    return %arg0, %c0_i32 : i32, i32
  }
  func.func @transform_3(%arg0: i32) -> (i32, i32) {
    %c0_i32 = arith.constant 0 : i32
    %c0_i32_0 = arith.constant 0 : i32
    %c0_i32_1 = arith.constant 0 : i32
    return %c0_i32, %c0_i32_0 : i32, i32
  }
  func.func @transform_4(%arg0: i32) -> (i32, i32) {
    %c0_i32 = arith.constant 0 : i32
    %c0_i32_0 = arith.constant 0 : i32
    %c0_i32_1 = arith.constant 0 : i32
    return %c0_i32, %c0_i32_0 : i32, i32
  }
  func.func @transform_5(%arg0: i32) -> (i32, i32) {
    %c0_i32 = arith.constant 0 : i32
    %c0_i32_0 = arith.constant 0 : i32
    %c0_i32_1 = arith.constant 0 : i32
    return %c0_i32, %c0_i32_0 : i32, i32
  }
  func.func @transform_6(%arg0: i32) -> (i32, i32) {
    %c0_i32 = arith.constant 0 : i32
    %c0_i32_0 = arith.constant 0 : i32
    %c0_i32_1 = arith.constant 0 : i32
    return %c0_i32, %c0_i32_0 : i32, i32
  }
  func.func @transform_7(%arg0: i32) -> (i32, i32) {
    %c0_i32 = arith.constant 0 : i32
    %c0_i32_0 = arith.constant 0 : i32
    %c0_i32_1 = arith.constant 0 : i32
    return %c0_i32, %c0_i32_0 : i32, i32
  }
  func.func @transform_8(%arg0: i32) -> (i32, i32) {
    %c0_i32 = arith.constant 0 : i32
    %c0_i32_0 = arith.constant 0 : i32
    return %arg0, %c0_i32 : i32, i32
  }
}

</mosaic_0001>

<sc_bundles>
// kernel: kernel.5.cloned.1.call-start
scs
__scs_entry_jumppad:
0x0: {  	(pc) =	sbr.rel $0x88, $3  }
0x1: {  	(tag) =	ssettag $0x0;
	lr =	simm.s32 $0x1  }
0x2: {  	[smem:$0x3F98] =	sst lr;
	_ =	strace $0xD0000000  }
0x3: {  	_ = 	snop  }
0x4: {  	_ = 	snop  }
0x5: {  	_ = 	snop  }
0x6: {  	_ = 	snop  }
0x7: {  	_ = 	snop  }
__scs_overlays_trampoline_lowered:
0x8: {  	[smem:$0x3FA7] =	sst s0  }
0x9: {  	[smem:$0x3FA8] =	sst s1  }
0xa: {  	[smem:$0x3FA9] =	sst s2  }
0xb: {  	[smem:$0x3FAA] =	sst s3  }
0xc: {  	[smem:$0x3FAB] =	sst s4  }
0xd: {  	[smem:$0x3FAC] =	sst s5  }
0xe: {  	[smem:$0x3FAD] =	sst s6  }
0xf: {  	[smem:$0x3FAE] =	sst s7  }
0x10: {  	[smem:$0x3FAF] =	sst s8  }
0x11: {  	[smem:$0x3FB0] =	sst s9;
	s0 =	simm.s32 @!p0 $0x0  }
0x12: {  	s1 =	sld [smem:$0x3F96];
	s0 =	simm.s32 @p0 $0x1  }
0x13: {  	[smem:$0x3FB1] =	sst s0;
	s0 =	simm.s32 @!p1 $0x0  }
0x14: {  	s2 =	sld [smem:$0x3F95];
	s0 =	simm.s32 @p1 $0x1  }
0x15: {  	[smem:$0x3FB2] =	sst s0;
	s0 =	simm.s32 @!p2 $0x0  }
0x16: {  	s3 =	sld [smem:$0x3FDB];
	s0 =	simm.s32 @p2 $0x1  }
0x17: {  	s4 =	simm.s32 $0x1BF5;
	[smem:$0x3FB4] =	sst s0  }
0x18: {  	s0 =	sld [smem:$0x3F97];
	_ =	swait.ge [sflag:s4], $0x0  }
0x19: {  	s7 =	sld [smem:$0x3F98]  }
0x1a: {  	s8 =	sadd.s32 $0xFFFFE003, lr  }
0x1b: {  	s9 =	sadd.s32 $0xFFFFFEF7, lr;
	s5 =	simm.s32 $0xFFFFFFFF;
	p2 =	slt.u32 s8, $0xFFFFF086  }
0x1c: {  	p1 =	slt.u32 s9, $0xF7A;
	s5 =	simm.s32 @!p2 $0x0  }
0x1d: {  	s5 =	simm.s32 @p1 $0x1;
	p0 =	seq.s32 s7, s2  }
0x1e: {  	s7 =	smul.u32 @!p0 $0xF7A, s2;
	p2 =	seq.s32 @!p0 s5, $0x0  }
0x1f: {  	s9 =	smul.u32 $0xF7A, s1;
	s8 =	simm.s32 @!p0 $0x1BF5;
	p2 =	por !p2, p0  }
0x20: {  	[sflag:s8] =	ssyncset.s32 @!p0 $0xFFFFF086;
	s6 =	sadd.s32 @!p0 s3, s7;
	s7 =	simm.s32 @!p0 $0x108  }
0x21: {  	s3 =	sadd.s32 s3, s9;
	s6 =	sadd.s32 @!p0 $0x88, s6;
	s7 =	simm.s32 @p2 $0x1082  }
0x22: {  	[simem:s7], [sflag:s8] =	dma.local @!p0 [hbm:s6], $0xF7A  }
0x23: {  	s9 =	sor.u32 $0xD0000000, s2;
	s6 =	simm.s32 $0x108;
	_ =	swait.ge @!p0 [sflag:s8], $0x0  }
0x24: {  	s3 =	sadd.s32 $0x88, s3;
	s6 =	simm.s32 @!p1 $0x1082;
	[sflag:s4] =	ssyncset.s32 $0xFFFFF086  }
0x25: {  	[simem:s6], [sflag:s4] =	dma.local [hbm:s3], $0xF7A  }
0x26: {  	[smem:$0x3F98] =	sst s1;
	(tag) =	ssettag s2;
	_ =	strace s9  }
0x27: {  	s1 =	sld [smem:$0x3FA8]  }
0x28: {  	s2 =	sld [smem:$0x3FA9]  }
0x29: {  	s4 =	sld [smem:$0x3FAB]  }
0x2a: {  	p0 =	seq.s32 s5, $0x0;
	s5 =	sld [smem:$0x3FAC]  }
0x2b: {  	s6 =	sld [smem:$0x3FAD]  }
0x2c: {  	s7 =	sld [smem:$0x3FAE]  }
0x2d: {  	s3 =	simm.s32 $0x108;
	s8 =	sld [smem:$0x3FAF]  }
0x2e: {  	s3 =	simm.s32 @!p0 $0x1082;
	s9 =	sld [smem:$0x3FB0]  }
0x2f: {  	lr =	sadd.s32 s0, s3;
	s0 =	sld [smem:$0x3FA7]  }
0x30: {  	s3 =	sld [smem:$0x3FAA]  }
0x31: {  	[smem:$0x3FB3] =	sst s10  }
0x32: {  	s10 =	sld [smem:$0x3FB1];
	_ =	sdelay $0x3  }
0x33: {  	p0 =	seq.s32 s10, $0x1;
	s10 =	sld [smem:$0x3FB3];
	_ =	sdelay $0x3  }
0x34: {  	[smem:$0x3FB3] =	sst s10  }
0x35: {  	s10 =	sld [smem:$0x3FB2];
	_ =	sdelay $0x3  }
0x36: {  	p1 =	seq.s32 s10, $0x1;
	s10 =	sld [smem:$0x3FB3];
	_ =	sdelay $0x3  }
0x37: {  	[smem:$0x3FB3] =	sst s10  }
0x38: {  	s10 =	sld [smem:$0x3FB4]  }
0x39: {  	_ = 	snop;
	(pc) =	sbr.ind lr, $3  }
0x3a: {  	_ = 	snop  }
0x3b: {  	_ = 	snop  }
0x3c: {  	p2 =	seq.s32 s10, $0x1;
	s10 =	sld [smem:$0x3FB3]  }
0x3d: {  	_ =	shalt  }
0x3e: {  	_ =	shalt  }
0x3f: {  	_ =	shalt  }
0x40: {  	_ =	shalt  }
0x41: {  	_ =	shalt  }
0x42: {  	_ =	shalt  }
0x43: {  	_ =	shalt  }
0x44: {  	_ =	shalt  }
0x45: {  	_ =	shalt  }
0x46: {  	_ =	shalt  }
0x47: {  	_ =	shalt  }
0x48: {  	_ =	shalt  }
0x49: {  	_ =	shalt  }
0x4a: {  	_ =	shalt  }
0x4b: {  	_ =	shalt  }
0x4c: {  	_ =	shalt  }
0x4d: {  	_ =	shalt  }
0x4e: {  	_ =	shalt  }
0x4f: {  	_ =	shalt  }
0x50: {  	_ =	shalt  }
0x51: {  	_ =	shalt  }
0x52: {  	_ =	shalt  }
0x53: {  	_ =	shalt  }
0x54: {  	_ =	shalt  }
0x55: {  	_ =	shalt  }
0x56: {  	_ =	shalt  }
0x57: {  	_ =	shalt  }
0x58: {  	_ =	shalt  }
0x59: {  	_ =	shalt  }
0x5a: {  	_ =	shalt  }
0x5b: {  	_ =	shalt  }
0x5c: {  	_ =	shalt  }
0x5d: {  	_ =	shalt  }
0x5e: {  	_ =	shalt  }
0x5f: {  	_ =	shalt  }
0x60: {  	_ =	shalt  }
0x61: {  	_ =	shalt  }
0x62: {  	_ =	shalt  }
0x63: {  	_ =	shalt  }
0x64: {  	_ =	shalt  }
0x65: {  	_ =	shalt  }
0x66: {  	_ =	shalt  }
0x67: {  	_ =	shalt  }
0x68: {  	_ =	shalt  }
0x69: {  	_ =	shalt  }
0x6a: {  	_ =	shalt  }
0x6b: {  	_ =	shalt  }
0x6c: {  	_ =	shalt  }
0x6d: {  	_ =	shalt  }
0x6e: {  	_ =	shalt  }
0x6f: {  	_ =	shalt  }
0x70: {  	_ =	shalt  }
0x71: {  	_ =	shalt  }
0x72: {  	_ =	shalt  }
0x73: {  	_ =	shalt  }
0x74: {  	_ =	shalt  }
0x75: {  	_ =	shalt  }
0x76: {  	_ =	shalt  }
0x77: {  	_ =	shalt  }
0x78: {  	_ =	shalt  }
0x79: {  	_ =	shalt  }
0x7a: {  	_ =	shalt  }
0x7b: {  	_ =	shalt  }
0x7c: {  	_ =	shalt  }
0x7d: {  	_ =	shalt  }
0x7e: {  	_ =	shalt  }
0x7f: {  	_ =	shalt  }
0x80: {  	_ =	shalt  }
0x81: {  	_ =	shalt  }
0x82: {  	_ =	shalt  }
0x83: {  	_ =	shalt  }
0x84: {  	_ =	shalt  }
0x85: {  	_ =	shalt  }
0x86: {  	_ =	shalt  }
0x87: {  	_ =	shalt  }
.Lfunc_end0:
.L_simem_size_0:
called_computation_lowered:
.L_overlay_start_0:
0x88: {  	s2 =	sld [smem:$0x3FD9]  }
0x89: {  	s3 =	sld [smem:$0x3FFE];
	_ =	sdelay $0x1  }
0x8a: {  	s1 =	srdreg.scid  }
0x8b: {  	s0 =	sand.u32 $0x1, s1  }
0x8c: {  	s16 =	sshll.u32 s0, $0xA;
	s2 =	sadd.s32 s3, s2  }
0x8d: {  	s2 =	sadd.s32 s2, s16  }
0x8e: {  	[smem:$0x3FBF] =	sst s2  }
0x8f: {  	_ = 	snop  }
0x90: {  	(tm) =	ssettm $0x1  }
0x91: {  	s17 =	sld [smem:$0x3FFB];
	_ =	sdelay $0x3  }
0x92: {  	_ =	strace s17  }
0x93: {  	s2 =	sld [smem:$0x3FFC];
	_ =	sdelay $0x3  }
0x94: {  	_ =	strace s2  }
0x95: {  	s2 =	sld [smem:$0x3FFD];
	_ =	sdelay $0x3  }
0x96: {  	_ =	strace s2  }
0x97: {  	_ =	strace $0x8FFFFFFF  }
0x98: {  	s18 =	sld [smem:$0x3FDB];
	_ =	sdelay $0x1  }
0x99: {  	s19 =	simm.s32 $_scs_section_size  }
0x9a: {  	s4 =	simm.s32 $_size__tile_overlayer_lowered;
	s5 =	simm.s32 $_tile_overlayer_lowered  }
0x9b: {  	s22 =	simm.s32 $0x1BFF;
	s21 =	sshll.u32 s5, $0x1;
	s2 =	sadd.s32 s19, s18  }
0x9c: {  	s6 =	simm.s32 $0x0;
	s20 =	sshll.u32 s4, $0x1;
	s4 =	sadd.s32 s21, s2  }
0x9d: {  	[timem:s6], [sflag:s22] =	dma.local [hbm:s4], s20  }
0x9e: {  	_ =	swait.ge [sflag:s22], s20  }
0x9f: {  	s3 =	ssub.s32 $0x0, s20;
	[sflag:s22] =	ssyncset.done $0x0  }
0xa0: {  	[sflag:s22] =	ssyncadd.s32 s3;
	_ =	sdelay $0x1  }
0xa1: {  	s23 =	simm.s32 $0x1B8B  }
0xa2: {  	_ =	swait.ge [sflag:s23], $0x1  }
0xa3: {  	[sflag:s23] =	ssyncset.done $0x0  }
0xa4: {  	s25 =	simm.s32 $0x1B8E;
	s24 =	sld [smem:$0x3FFE];
	[sflag:s23] =	ssyncadd.s32 $0xFFFFFFFF  }
0xa5: {  	s26 =	simm.s32 $execute0_lowered;
	[smem:$0x3FD2] =	sst s25  }
0xa6: {  	s4 =	sshll.u32 s26, $0x1;
	_ =	strace $0x80000046;
	[dreg:$0x1] =	wrdreg $0xFFFFFFFF  }
0xa7: {  	s28 =	simm.s32 $_size_execute0_lowered;
	s2 =	sadd.s32 s2, s4;
	[dreg:$0x0] =	wrdreg $0x0  }
0xa8: {  	s4 =	sshll.u32 s28, $0x1;
	[dreg:$0x2] =	wrdreg s2  }
0xa9: {  	[dreg:$0x3] =	wrdreg s4  }
0xaa: {  	[dreg:$0x4] =	wrdreg $0xC0  }
0xab: {  	_ =	task [dreg:s6], $0x5FFFF  }
0xac: {  	[dreg:$0x1] =	wrdreg $0xFFFFFFFF  }
0xad: {  	[dreg:$0x0] =	wrdreg $0x60  }
0xae: {  	[dreg:$0x2] =	wrdreg s24  }
0xaf: {  	[dreg:$0x3] =	wrdreg $0x9  }
0xb0: {  	_ =	task.clear_ibuf [dreg:s6], $0x4FFFF;
	_ =	strace $0x90000046  }
0xb1: {  	s29 =	simm.s32 $0x9;
	_ =	strace $0x80000051  }
0xb2: {  	_ =	swait.ge [sflag:s29], $0x1  }
0xb3: {  	[sflag:s29] =	ssyncadd.s32 $0xFFFFFFFF  }
0xb4: {  	_ =	strace $0x90000051  }
0xb5: {  	_ =	sfence  }
0xb6: {  	s30 =	sld [smem:$0x0];
	_ =	sdelay $0x2  }
0xb7: {  	s31 =	sshll.u32 s1, $0xD;
	s1 =	sshrl.u32 s1, $0x2  }
0xb8: {  	s3 =	sand.u32 $0x4000, s31;
	s1 =	sadd.s32 s1, s30  }
0xb9: {  	s0 =	sor.u32 s3, s0;
	s1 =	sshll.u32 s1, $0x11  }
0xba: {  	s0 =	sor.u32 s1, s0  }
0xbb: {  	s0 =	sadd.s32 $0x8F2B, s0  }
0xbc: {  	[sflag:s0] =	ssyncadd.remote.s32 $0x1  }
0xbd: {  	_ =	sfence.sel $0xFFFF  }
0xbe: {  	[dreg:$0x0] =	wrdreg $0xFFFFFFFF;
	(pc) =	sbr.abs _section_cstart, $3  }
0xbf: {  	[dreg:$0x1] =	wrdreg $0xFFFFFFFF  }
0xc0: {  	_ =	task.clear_ibuf [dreg:s6], $0x2FFFF;
	_ =	strace $0x9FFFFFFF  }
0xc1: {  	(tm) =	ssettm $0x7FFFFFFF  }
tec
execute0_lowered:
.L_overlay_start_1:
0x0: {  	(tag) =	ssettag $0x1  }
0x1: {  	v1 =	vlaneseq.u32  }
0x2: {  	s0 =	rddreg [dreg:$0x0];
	s1 =	simm.s32 $0x0;
	v0 =	vand.u32 $0x7, v1  }
0x3: {  	s2 =	srdreg.scid;
	s6 =	stileid.u32;
	s12 =	simm.s32 $0x10400;
	v2 =	vmul.u32 $0x10, v0  }
0x4: {  	s13 =	simm.s32 $0x200;
	s14 =	simm.s32 $0x7;
	s15 =	simm.s32 $0x6;
	v0 =	vmul.u32 $0x10, v1  }
0x5: {  	s16 =	simm.s32 $0x0;
	[smem:$0x7FF] =	sst s1;
	s2 =	sand.u32 $0x1, s2;
	v1 =	vmul.u32 $0x80, v1;
	v2 =	vor.u32 $0xFFFFFF80, v2  }
0x6: {  	s3 =	sadd.s32 $0x27AD200, s0;
	s4 =	sadd.s32 $0xDE00, s0;
	s5 =	sshll.u32 s2, $0x4;
	v3 =	vor.u32 $0x1, v0;
	v4 =	vor.u32 $0x2, v0;
	v5 =	vor.u32 $0x3, v0  }
0x7: {  	_ =	strace $0x80000047;
	s2 =	ssub.s32 $0x2, s2;
	s7 =	sor.u32 s6, s5;
	v6 =	vor.u32 $0x4, v0;
	v7 =	vor.u32 $0x5, v0;
	v8 =	vor.u32 $0x6, v0  }
0x8: {  	s5 =	sadd.s32 $0xE00, s0;
	s8 =	sshrl.u32 s2, $0x1;
	s9 =	smul.u32 $0x680, s7;
	v9 =	vor.u32 $0x7, v0;
	v10 =	vor.u32 $0x8, v0;
	v11 =	vor.u32 $0x9, v0  }
0x9: {  	s6 =	sadd.s32 $0x1AE00, s0;
	s31 =	ssub.s32 s2, s8;
	s7 =	smul.u32 $0x1A, s7;
	v12 =	vor.u32 $0xA, v0;
	v13 =	vor.u32 $0xB, v0;
	v14 =	vor.u32 $0xC, v0  }
0xa: {  	v15 =	vor.u32 $0xD, v0;
	v16 =	vor.u32 $0xE, v0;
	v17 =	vor.u32 $0xF, v0;
	s10 =	smax.u32 s31, $0x1;
	s8 =	sadd.s32 s4, s9;
	s9 =	sadd.s32 s5, s9  }
.LBB2_1:
0xb: {  	_ =	strace $0x80000048;
	s0 =	simm.s32 $0x10000  }
0xc: {  	s25 =	simm.s32 $0x0;
	s17 =	simm.s32 $0x0;
	s18 =	simm.s32 $0x0  }
0xd: {  	[tilespmem:s0], [sflag:$0x1] =	stream.linear.gather [hbm4b:s8+s1], $0x200, $0x200038;
	[tilespmem:$0x14800] =	vst v63  }
0xe: {  	s19 =	simm.s32 $0x0;
	s20 =	simm.s32 $0x1;
	s21 =	simm.s32 $0x0  }
0xf: {  	[tilespmem:s12], [sflag:$0x3] =	stream.linear.gather [hbm4b:s9+s1], $0x200, $0x200038;
	[tilespmem:$0x14800] =	vst v63  }
0x10: {  	s22 =	simm.s32 $0x1;
	s23 =	simm.s32 $0x0;
	_ =	strace $0x90000048  }
.LBB2_2:
0x11: {  	s24 =	sadd.s32 $0x1, s25  }
0x12: {  	p0 =	seq.s32 s24, $0x1A  }
0x13: {  	s24 =	simm.s32 @p0 $0x0;
	p0 =	seq.s32 s23, $0x19  }
0x14: {  	p1 =	seq.s32 @!p0 s25, s24  }
0x15: {  	p2 =	por p1, p0  }
0x16: {  	s0 =	sadd.s32 @!p2 s7, s24  }
0x17: {  	s26 =	sand.u32 @!p2 $0x1, s22;
	_ =	strace @!p2 $0x80000049;
	s0 =	sshll.u32 @!p2 s0, $0x6  }
0x18: {  	s30 =	simm.s32 @!p2 $0x0;
	s28 =	sshll.u32 @!p2 s26, $0x9;
	s0 =	sand.u32 @!p2 $0x1FFFFFC0, s0  }
0x19: {  	s26 =	sadd.s32 @!p2 $0x1, s26;
	s28 =	sor.u32 @!p2 $0x10000, s28;
	s29 =	sadd.s32 @!p2 s4, s0  }
0x1a: {  	[tilespmem:s28], [sflag:s26] =	stream.linear.gather @!p2 [hbm4b:s29+s30], $0x200, $0x200038;
	[tilespmem:$0x14800] =	vst v63  }
0x1b: {  	s26 =	sand.u32 @!p2 $0x1, s20  }
0x1c: {  	s0 =	sadd.s32 @!p2 s5, s0;
	_ =	strace @!p2 $0x90000049;
	s28 =	sshll.u32 @!p2 s26, $0x9  }
0x1d: {  	s26 =	sadd.s32 @!p2 $0x3, s26;
	_ =	strace @!p2 $0x8000004A;
	s28 =	sor.u32 @!p2 $0x10400, s28  }
0x1e: {  	[tilespmem:s28], [sflag:s26] =	stream.linear.gather @!p2 [hbm4b:s0+s30], $0x200, $0x200038;
	[tilespmem:$0x14800] =	vst v63  }
0x1f: {  	s26 =	sand.u32 $0x1, s21;
	_ =	strace @!p2 $0x9000004A  }
0x20: {  	s0 =	sadd.s32 $0x1, s26;
	_ =	strace $0x8000004B  }
0x21: {  	_ =	swait.ge [sflag:s0], $0x200  }
0x22: {  	[sflag:s0] =	ssyncset.done $0x0  }
0x23: {  	[sflag:s0] =	ssyncadd.s32 $0xFFFFFE00  }
0x24: {  	s11 =	sand.u32 $0x1, s19;
	_ =	strace $0x9000004B  }
0x25: {  	s0 =	sadd.s32 $0x3, s11;
	_ =	strace $0x8000004C  }
0x26: {  	_ =	swait.ge [sflag:s0], $0x200  }
0x27: {  	[sflag:s0] =	ssyncset.done $0x0  }
0x28: {  	s26 =	sshll.u32 s21, $0x9;
	[sflag:s0] =	ssyncadd.s32 $0xFFFFFE00  }
0x29: {  	s0 =	sand.u32 $0x200, s26;
	_ =	strace $0x9000004C  }
0x2a: {  	s26 =	simm.s32 $0x0;
	s0 =	sor.u32 $0x10000, s0;
	_ =	strace $0x8000004D  }
0x2b: {  	[tilespmem:s26], [sflag:$0x7] =	stream.indirect.gather [hbm4b:s3+s13], $0x80, s0, s13, $0x2000b8;
	[tilespmem:$0x14800] =	vst v63  }
0x2c: {  	s11 =	sshll.u32 s19, $0x9;
	_ =	swait.ge [sflag:s14], $0x10000  }
0x2d: {  	s0 =	sand.u32 $0x200, s11;
	[sflag:s14] =	ssyncset.done $0x0  }
0x2e: {  	s28 =	sor.u32 $0x10400, s0;
	[sflag:s14] =	ssyncadd.s32 $0xFFFF0000  }
0x2f: {  	v18 =	vld [tilespmem:s28+$0x0];
	_ =	sdelay $0x2  }
0x30: {  	v19 =	vmov s26  }
0x31: {  	v19 =	vshll.u32 v19, $0x7  }
0x32: {  	v19 =	vor.u32 v1, v19;
	v20 =	vand.u32 $0xFFFFFF80, v18  }
0x33: {  	v21 =	vand.u32 $0x7F, v18;
	v20 =	vadd.s32 v19, v20  }
0x34: {  	v20 =	vor.u32 v21, v20;
	_ =	sdelay $0x2  }
0x35: {  	v53 =	vadd.s32 $0x1, v18  }
0x36: {  	v23 =	vor.u32 s26, v0;
	v22 =	vand.u32 $0xFFFFFF80, v53  }
0x37: {  	v23 =	vand.u32 v2, v23;
	v22 =	vadd.s32 v19, v22;
	v21 =	vand.u32 $0x7F, v53;
	v20 =	vld.idx.msk [tilespmem:v20+s1+$0x0], $0xffff  }
0x38: {  	v21 =	vor.u32 v21, v22  }
0x39: {  	s30 =	sand.u32 $0x1, s18  }
0x3a: {  	s11 =	sshll.u32 s30, $0xD  }
0x3b: {  	s29 =	sor.u32 $0x10800, s11;
	v54 =	vadd.s32 $0x2, v18  }
0x3c: {  	v24 =	vand.u32 $0xFFFFFF80, v54;
	[tilespmem:v23+s29+$0x0] =	vst.idx.msk $0xffff, v20  }
0x3d: {  	v55 =	vor.u32 s26, v3;
	v22 =	vand.u32 $0x7F, v54;
	v20 =	vadd.s32 v19, v24;
	v21 =	vld.idx.msk [tilespmem:v21+s1+$0x0], $0xffff  }
0x3e: {  	v20 =	vor.u32 v22, v20;
	_ =	sdelay $0x2  }
0x3f: {  	v56 =	vadd.s32 $0x3, v18  }
0x40: {  	v57 =	vand.u32 $0xFFFFFF80, v56;
	[tilespmem:v55+s29+$0x0] =	vst.idx.msk $0xffff, v21  }
0x41: {  	v59 =	vor.u32 s26, v4;
	v58 =	vadd.s32 v19, v57;
	v22 =	vand.u32 $0x7F, v56;
	v20 =	vld.idx.msk [tilespmem:v20+s1+$0x0], $0xffff  }
0x42: {  	v21 =	vor.u32 v22, v58;
	_ =	sdelay $0x2  }
0x43: {  	v60 =	vadd.s32 $0x4, v18  }
0x44: {  	v61 =	vand.u32 $0xFFFFFF80, v60;
	[tilespmem:v59+s29+$0x0] =	vst.idx.msk $0xffff, v20  }
0x45: {  	v62 =	vor.u32 s26, v5;
	v22 =	vand.u32 $0x7F, v60;
	v20 =	vadd.s32 v19, v61;
	v21 =	vld.idx.msk [tilespmem:v21+s1+$0x0], $0xffff  }
0x46: {  	v20 =	vor.u32 v22, v20;
	_ =	sdelay $0x2  }
0x47: {  	v63 =	vadd.s32 $0x5, v18  }
0x48: {  	v28 =	vand.u32 $0xFFFFFF80, v63;
	[tilespmem:v62+s29+$0x0] =	vst.idx.msk $0xffff, v21  }
0x49: {  	v30 =	vor.u32 s26, v6;
	v29 =	vadd.s32 v19, v28;
	v22 =	vand.u32 $0x7F, v63;
	v20 =	vld.idx.msk [tilespmem:v20+s1+$0x0], $0xffff  }
0x4a: {  	v21 =	vor.u32 v22, v29;
	_ =	sdelay $0x2  }
0x4b: {  	v31 =	vadd.s32 $0x6, v18  }
0x4c: {  	v32 =	vand.u32 $0xFFFFFF80, v31;
	[tilespmem:v30+s29+$0x0] =	vst.idx.msk $0xffff, v20  }
0x4d: {  	v33 =	vor.u32 s26, v7;
	v22 =	vand.u32 $0x7F, v31;
	v20 =	vadd.s32 v19, v32;
	v21 =	vld.idx.msk [tilespmem:v21+s1+$0x0], $0xffff  }
0x4e: {  	v20 =	vor.u32 v22, v20;
	_ =	sdelay $0x2  }
0x4f: {  	v34 =	vadd.s32 $0x7, v18  }
0x50: {  	v35 =	vand.u32 $0xFFFFFF80, v34;
	[tilespmem:v33+s29+$0x0] =	vst.idx.msk $0xffff, v21  }
0x51: {  	v37 =	vor.u32 s26, v8;
	v36 =	vadd.s32 v19, v35;
	v22 =	vand.u32 $0x7F, v34;
	v20 =	vld.idx.msk [tilespmem:v20+s1+$0x0], $0xffff  }
0x52: {  	v21 =	vor.u32 v22, v36;
	_ =	sdelay $0x2  }
0x53: {  	v38 =	vadd.s32 $0x8, v18  }
0x54: {  	v39 =	vand.u32 $0xFFFFFF80, v38;
	[tilespmem:v37+s29+$0x0] =	vst.idx.msk $0xffff, v20  }
0x55: {  	v40 =	vor.u32 s26, v9;
	v22 =	vand.u32 $0x7F, v38;
	v20 =	vadd.s32 v19, v39;
	v21 =	vld.idx.msk [tilespmem:v21+s1+$0x0], $0xffff  }
0x56: {  	v20 =	vor.u32 v22, v20;
	_ =	sdelay $0x2  }
0x57: {  	v41 =	vadd.s32 $0x9, v18  }
0x58: {  	v42 =	vand.u32 $0xFFFFFF80, v41;
	[tilespmem:v40+s29+$0x0] =	vst.idx.msk $0xffff, v21  }
0x59: {  	v44 =	vor.u32 s26, v10;
	v43 =	vadd.s32 v19, v42;
	v22 =	vand.u32 $0x7F, v41;
	v20 =	vld.idx.msk [tilespmem:v20+s1+$0x0], $0xffff  }
0x5a: {  	v21 =	vor.u32 v22, v43;
	_ =	sdelay $0x2  }
0x5b: {  	v45 =	vadd.s32 $0xA, v18  }
0x5c: {  	v46 =	vand.u32 $0xFFFFFF80, v45;
	[tilespmem:v44+s29+$0x0] =	vst.idx.msk $0xffff, v20  }
0x5d: {  	v47 =	vor.u32 s26, v11;
	v22 =	vand.u32 $0x7F, v45;
	v20 =	vadd.s32 v19, v46;
	v21 =	vld.idx.msk [tilespmem:v21+s1+$0x0], $0xffff  }
0x5e: {  	v20 =	vor.u32 v22, v20;
	_ =	sdelay $0x2  }
0x5f: {  	v48 =	vadd.s32 $0xB, v18  }
0x60: {  	v49 =	vand.u32 $0xFFFFFF80, v48;
	[tilespmem:v47+s29+$0x0] =	vst.idx.msk $0xffff, v21  }
0x61: {  	v51 =	vor.u32 s26, v12;
	v50 =	vadd.s32 v19, v49;
	v22 =	vand.u32 $0x7F, v48;
	v20 =	vld.idx.msk [tilespmem:v20+s1+$0x0], $0xffff  }
0x62: {  	v21 =	vor.u32 v22, v50;
	_ =	sdelay $0x2  }
0x63: {  	v52 =	vadd.s32 $0xC, v18  }
0x64: {  	v53 =	vand.u32 $0xFFFFFF80, v52;
	[tilespmem:v51+s29+$0x0] =	vst.idx.msk $0xffff, v20  }
0x65: {  	v54 =	vor.u32 s26, v13;
	v22 =	vand.u32 $0x7F, v52;
	v20 =	vadd.s32 v19, v53;
	v21 =	vld.idx.msk [tilespmem:v21+s1+$0x0], $0xffff  }
0x66: {  	v20 =	vor.u32 v22, v20;
	_ =	sdelay $0x2  }
0x67: {  	v55 =	vadd.s32 $0xD, v18  }
0x68: {  	v56 =	vand.u32 $0xFFFFFF80, v55;
	[tilespmem:v54+s29+$0x0] =	vst.idx.msk $0xffff, v21  }
0x69: {  	v58 =	vor.u32 s26, v14;
	v57 =	vadd.s32 v19, v56;
	v22 =	vand.u32 $0x7F, v55;
	v20 =	vld.idx.msk [tilespmem:v20+s1+$0x0], $0xffff  }
0x6a: {  	v21 =	vor.u32 v22, v57;
	_ =	sdelay $0x2  }
0x6b: {  	v59 =	vadd.s32 $0xE, v18  }
0x6c: {  	v60 =	vand.u32 $0xFFFFFF80, v59;
	[tilespmem:v58+s29+$0x0] =	vst.idx.msk $0xffff, v20  }
0x6d: {  	v61 =	vor.u32 s26, v15;
	v22 =	vand.u32 $0x7F, v59;
	v20 =	vadd.s32 v19, v60;
	v21 =	vld.idx.msk [tilespmem:v21+s1+$0x0], $0xffff  }
0x6e: {  	v20 =	vor.u32 v22, v20;
	_ =	sdelay $0x2  }
0x6f: {  	v18 =	vadd.s32 $0xF, v18  }
0x70: {  	v62 =	vand.u32 $0xFFFFFF80, v18;
	[tilespmem:v61+s29+$0x0] =	vst.idx.msk $0xffff, v21  }
0x71: {  	v63 =	vor.u32 s26, v16;
	v18 =	vand.u32 $0x7F, v18;
	v19 =	vadd.s32 v19, v62;
	v20 =	vld.idx.msk [tilespmem:v20+s1+$0x0], $0xffff  }
0x72: {  	v18 =	vor.u32 v18, v19;
	_ =	sdelay $0x1  }
0x73: {  	s31 =	simm.s32 $0x0;
	p1 =	por !p1, p0  }
0x74: {  	s31 =	simm.s32 @p1 $0x1;
	s0 =	sadd.s32 @!p2 $0x1, s22  }
0x75: {  	s2 =	smov.u32 s22;
	s31 =	simm.s32 @p0 $0x0;
	s22 =	smov.u32 @p1 s0;
	[tilespmem:v63+s29+$0x0] =	vst.idx.msk $0xffff, v20  }
0x76: {  	s0 =	sadd.s32 s7, s25;
	s22 =	smov.u32 @p0 s2;
	s2 =	simm.s32 $0x10;
	v19 =	vor.u32 s26, v17;
	v18 =	vld.idx.msk [tilespmem:v18+s1+$0x0], $0xffff  }
.LBB2_3:
0x77: {  	_ =	sdelay $0x3  }
0x78: {  	p1 =	sne.s32 s2, $0x1F0;
	s26 =	sadd.s32 $0x100, s26;
	s28 =	sadd.s32 $0x10, s28;
	[tilespmem:v19+s29+$0x0] =	vst.idx.msk $0xffff, v18  }
0x79: {  	s11 =	smov.u32 s2;
	s2 =	sadd.s32 $0x10, s2;
	v18 =	vld [tilespmem:s28+$0x0];
	_ =	sdelay $0x2  }
0x7a: {  	v19 =	vmov s11  }
0x7b: {  	v19 =	vshll.u32 v19, $0x7  }
0x7c: {  	v19 =	vor.u32 v1, v19;
	v20 =	vand.u32 $0xFFFFFF80, v18;
	v21 =	vadd.s32 $0x1, v18  }
0x7d: {  	v22 =	vand.u32 $0x7F, v18;
	v20 =	vadd.s32 v19, v20;
	v23 =	vand.u32 $0xFFFFFF80, v21  }
0x7e: {  	v24 =	vadd.s32 $0x2, v18;
	v20 =	vor.u32 v22, v20;
	v22 =	vadd.s32 v19, v23  }
0x7f: {  	v27 =	vadd.s32 $0x3, v18;
	v28 =	vadd.s32 $0x4, v18;
	v23 =	vand.u32 $0xFFFFFF80, v24  }
0x80: {  	v25 =	vand.u32 $0xFFFFFF80, v28;
	v29 =	vadd.s32 v19, v23;
	v23 =	vand.u32 $0xFFFFFF80, v27  }
0x81: {  	v32 =	vadd.s32 $0x5, v18;
	v31 =	vadd.s32 v19, v25;
	v30 =	vadd.s32 v19, v23  }
0x82: {  	v33 =	vadd.s32 $0x6, v18;
	v34 =	vadd.s32 $0x7, v18;
	v23 =	vand.u32 $0xFFFFFF80, v32  }
0x83: {  	v25 =	vor.u32 s26, v0;
	v35 =	vadd.s32 v19, v23;
	v23 =	vand.u32 $0xFFFFFF80, v33;
	v20 =	vld.idx.msk [tilespmem:v20+s1+$0x0], $0xffff  }
0x84: {  	v21 =	vand.u32 $0x7F, v21;
	v26 =	vand.u32 v2, v25;
	v36 =	vadd.s32 v19, v23  }
0x85: {  	v37 =	vadd.s32 $0x8, v18;
	v21 =	vor.u32 v21, v22;
	v22 =	vand.u32 $0xFFFFFF80, v34  }
0x86: {  	v39 =	vadd.s32 $0x9, v18;
	v38 =	vadd.s32 v19, v22;
	v22 =	vand.u32 $0xFFFFFF80, v37  }
0x87: {  	v41 =	vadd.s32 $0xA, v18;
	v40 =	vadd.s32 v19, v22;
	v22 =	vand.u32 $0xFFFFFF80, v39  }
0x88: {  	v25 =	vadd.s32 $0xB, v18;
	v42 =	vadd.s32 v19, v22;
	v22 =	vand.u32 $0xFFFFFF80, v41  }
0x89: {  	v23 =	vadd.s32 $0xC, v18;
	v43 =	vadd.s32 v19, v22;
	[tilespmem:v26+s29+$0x0] =	vst.idx.msk $0xffff, v20;
	v20 =	vand.u32 $0xFFFFFF80, v25  }
0x8a: {  	v44 =	vld.idx.msk [tilespmem:v21+s1+$0x0], $0xffff;
	v45 =	vadd.s32 v19, v20;
	v20 =	vand.u32 $0xFFFFFF80, v23;
	v21 =	vadd.s32 $0xD, v18  }
0x8b: {  	v46 =	vor.u32 s26, v3;
	v22 =	vand.u32 $0x7F, v24;
	v26 =	vadd.s32 v19, v20  }
0x8c: {  	v29 =	vor.u32 v22, v29;
	v22 =	vand.u32 $0xFFFFFF80, v21;
	v20 =	vadd.s32 $0xE, v18  }
0x8d: {  	v18 =	vadd.s32 $0xF, v18;
	v24 =	vadd.s32 v19, v22;
	v22 =	vand.u32 $0xFFFFFF80, v20  }
0x8e: {  	v47 =	vand.u32 $0xFFFFFF80, v18;
	v22 =	vadd.s32 v19, v22  }
0x8f: {  	v19 =	vadd.s32 v19, v47  }
0x90: {  	[tilespmem:v46+s29+$0x0] =	vst.idx.msk $0xffff, v44  }
0x91: {  	v29 =	vld.idx.msk [tilespmem:v29+s1+$0x0], $0xffff  }
0x92: {  	v27 =	vand.u32 $0x7F, v27;
	v44 =	vor.u32 s26, v4  }
0x93: {  	v27 =	vor.u32 v27, v30;
	_ =	sdelay $0x3  }
0x94: {  	[tilespmem:v44+s29+$0x0] =	vst.idx.msk $0xffff, v29  }
0x95: {  	v27 =	vld.idx.msk [tilespmem:v27+s1+$0x0], $0xffff  }
0x96: {  	v28 =	vand.u32 $0x7F, v28;
	v29 =	vor.u32 s26, v5  }
0x97: {  	v28 =	vor.u32 v28, v31;
	_ =	sdelay $0x3  }
0x98: {  	[tilespmem:v29+s29+$0x0] =	vst.idx.msk $0xffff, v27  }
0x99: {  	v27 =	vld.idx.msk [tilespmem:v28+s1+$0x0], $0xffff  }
0x9a: {  	v29 =	vand.u32 $0x7F, v32;
	v28 =	vor.u32 s26, v6  }
0x9b: {  	v29 =	vor.u32 v29, v35;
	_ =	sdelay $0x3  }
0x9c: {  	[tilespmem:v28+s29+$0x0] =	vst.idx.msk $0xffff, v27  }
0x9d: {  	v27 =	vld.idx.msk [tilespmem:v29+s1+$0x0], $0xffff  }
0x9e: {  	v28 =	vor.u32 s26, v7;
	v29 =	vand.u32 $0x7F, v33  }
0x9f: {  	v29 =	vor.u32 v29, v36;
	_ =	sdelay $0x3  }
0xa0: {  	[tilespmem:v28+s29+$0x0] =	vst.idx.msk $0xffff, v27  }
0xa1: {  	v27 =	vld.idx.msk [tilespmem:v29+s1+$0x0], $0xffff  }
0xa2: {  	v28 =	vor.u32 s26, v8;
	v29 =	vand.u32 $0x7F, v34  }
0xa3: {  	v29 =	vor.u32 v29, v38;
	_ =	sdelay $0x3  }
0xa4: {  	[tilespmem:v28+s29+$0x0] =	vst.idx.msk $0xffff, v27  }
0xa5: {  	v27 =	vld.idx.msk [tilespmem:v29+s1+$0x0], $0xffff  }
0xa6: {  	v28 =	vor.u32 s26, v9;
	v29 =	vand.u32 $0x7F, v37  }
0xa7: {  	v29 =	vor.u32 v29, v40;
	_ =	sdelay $0x3  }
0xa8: {  	[tilespmem:v28+s29+$0x0] =	vst.idx.msk $0xffff, v27  }
0xa9: {  	v27 =	vld.idx.msk [tilespmem:v29+s1+$0x0], $0xffff  }
0xaa: {  	v28 =	vor.u32 s26, v10;
	v29 =	vand.u32 $0x7F, v39  }
0xab: {  	v29 =	vor.u32 v29, v42;
	_ =	sdelay $0x3  }
0xac: {  	[tilespmem:v28+s29+$0x0] =	vst.idx.msk $0xffff, v27  }
0xad: {  	v27 =	vld.idx.msk [tilespmem:v29+s1+$0x0], $0xffff  }
0xae: {  	v28 =	vor.u32 s26, v11;
	v29 =	vand.u32 $0x7F, v41  }
0xaf: {  	v29 =	vor.u32 v29, v43;
	_ =	sdelay $0x3  }
0xb0: {  	[tilespmem:v28+s29+$0x0] =	vst.idx.msk $0xffff, v27  }
0xb1: {  	v27 =	vld.idx.msk [tilespmem:v29+s1+$0x0], $0xffff  }
0xb2: {  	v25 =	vand.u32 $0x7F, v25;
	v28 =	vor.u32 s26, v12  }
0xb3: {  	v25 =	vor.u32 v25, v45;
	_ =	sdelay $0x3  }
0xb4: {  	[tilespmem:v28+s29+$0x0] =	vst.idx.msk $0xffff, v27  }
0xb5: {  	v25 =	vld.idx.msk [tilespmem:v25+s1+$0x0], $0xffff  }
0xb6: {  	v23 =	vand.u32 $0x7F, v23;
	v27 =	vor.u32 s26, v13  }
0xb7: {  	v23 =	vor.u32 v23, v26;
	_ =	sdelay $0x3  }
0xb8: {  	[tilespmem:v27+s29+$0x0] =	vst.idx.msk $0xffff, v25  }
0xb9: {  	v23 =	vld.idx.msk [tilespmem:v23+s1+$0x0], $0xffff  }
0xba: {  	v21 =	vand.u32 $0x7F, v21;
	v25 =	vor.u32 s26, v14  }
0xbb: {  	v21 =	vor.u32 v21, v24;
	_ =	sdelay $0x3  }
0xbc: {  	[tilespmem:v25+s29+$0x0] =	vst.idx.msk $0xffff, v23  }
0xbd: {  	v21 =	vld.idx.msk [tilespmem:v21+s1+$0x0], $0xffff  }
0xbe: {  	v20 =	vand.u32 $0x7F, v20;
	v23 =	vor.u32 s26, v15  }
0xbf: {  	v20 =	vor.u32 v20, v22;
	_ =	sdelay $0x3  }
0xc0: {  	[tilespmem:v23+s29+$0x0] =	vst.idx.msk $0xffff, v21  }
0xc1: {  	v20 =	vld.idx.msk [tilespmem:v20+s1+$0x0], $0xffff  }
0xc2: {  	v18 =	vand.u32 $0x7F, v18;
	v21 =	vor.u32 s26, v16  }
0xc3: {  	v18 =	vor.u32 v18, v19;
	_ =	sdelay $0x1  }
.Ltmp0:
0xc4: {  	(pc) =	sbr.rel @p1 .LBB2_3-.Ltmp0, $4  }
0xc5: {  	_ = 	snop  }
0xc6: {  	[tilespmem:v21+s29+$0x0] =	vst.idx.msk $0xffff, v20  }
0xc7: {  	v18 =	vld.idx.msk [tilespmem:v18+s1+$0x0], $0xffff  }
0xc8: {  	v19 =	vor.u32 s26, v17  }
0xc9: {  	_ =	sdelay $0x1  }
0xca: {  	p1 =	sne.s32 s25, s24  }
0xcb: {  	p0 =	por p0, p1  }
0xcc: {  	p1 =	seq.s32 s23, $0x0;
	s0 =	sshll.u32 @p0 s0, $0xA;
	[tilespmem:v19+s29+$0x0] =	vst.idx.msk $0xffff, v18  }
0xcd: {  	s2 =	sadd.s32 @p0 $0x5, s30;
	s0 =	sand.u32 @p0 $0x1FFFFC00, s0;
	_ =	strace $0x9000004D  }
0xce: {  	s11 =	simm.s32 @p0 $0x0;
	s0 =	sadd.s32 @p0 s6, s0;
	_ =	strace @p0 $0x8000004E  }
0xcf: {  	[hbm4b:s0+s11] =	stream.linear.scatter @p0 [tilespmem:s29], [sflag:s2], $0x2000, $0x200038;
	[tilespmem:$0x14800] =	vst v63  }
0xd0: {  	s0 =	sand.u32 @!p1 $0x1, s17;
	_ =	strace @p0 $0x9000004E  }
0xd1: {  	s0 =	sadd.s32 @!p1 $0x5, s0;
	_ =	strace @!p1 $0x8000004F  }
0xd2: {  	s2 =	simm.s32 $0x1;
	_ =	swait.ge @!p1 [sflag:s0], $0x2000  }
0xd3: {  	s2 =	simm.s32 @!p0 $0x0;
	p0 =	sne.s32 s23, $0x0;
	[sflag:s0] =	ssyncset.done @!p1 $0x0  }
0xd4: {  	s23 =	sadd.s32 $0x1, s23;
	[sflag:s0] =	ssyncadd.s32 @!p1 $0xFFFFE000;
	s0 =	simm.s32 $0x1  }
0xd5: {  	s0 =	simm.s32 @!p0 $0x0;
	p0 =	sne.s32 s23, $0x1A  }
.Ltmp1:
0xd6: {  	_ = 	snop;
	(pc) =	sbr.rel @p0 .LBB2_2-.Ltmp1, $4  }
0xd7: {  	_ = 	snop  }
0xd8: {  	s20 =	sadd.s32 s20, s31  }
0xd9: {  	s25 =	smov.u32 s24;
	s18 =	sadd.s32 s2, s18;
	s21 =	sadd.s32 s2, s21  }
0xda: {  	s19 =	sadd.s32 s2, s19;
	_ =	strace @!p1 $0x9000004F;
	s17 =	sadd.s32 s0, s17  }
0xdb: {  	s16 =	sadd.s32 $0x1, s16  }
0xdc: {  	p0 =	sne.s32 s16, s10  }
.Ltmp2:
0xdd: {  	_ =	strace $0x80000050;
	(pc) =	sbr.rel @p0 .LBB2_1-.Ltmp2, $4  }
0xde: {  	_ =	swait.ge [sflag:s15], $0x2000  }
0xdf: {  	[sflag:s15] =	ssyncset.done $0x0  }
0xe0: {  	[sflag:s15] =	ssyncadd.s32 $0xFFFFE000  }
0xe1: {  	_ =	strace $0x90000050  }
0xe2: {  	_ =	sfence.sel $0x180000  }
0xe3: {  	[bflag:$0x0] =	sbarrier.arrive $0xFFFF  }
0xe4: {  	_ =	strace $0x90000047  }
0xe5: {  	s0 =	stileid.u32;
	[bflag:$0x2] =	sbarrier.arrive $0xFFFF  }
0xe6: {  	p0 =	sne.s32 s0, $0x0;
	s0 =	rddreg [dreg:$0x1]  }
0xe7: {  	s0 =	sadd.s32 @!p0 $0x100000, s0  }
0xe8: {  	[sflag:s0] =	ssyncadd.tile.s32 @!p0 $0x1;
	_ =	shalt  }
.Lfunc_end2:
_tile_overlayer_lowered:
.L_overlay_start_2:
0xe9: {  	(tag) =	ssettag $0x2  }
0xea: {  	s0 =	rddreg [dreg:$0x0];
	s2 =	stileid.u32  }
0xeb: {  	s1 =	rddreg [dreg:$0x1];
	p0 =	sne.s32 s2, $0x0  }
0xec: {  	s3 =	rddreg [dreg:$0x2];
	[bflag:$0x3] =	sbarrier.arrive $0xFFFF;
	s2 =	simm.s32 @!p0 $0x1C01  }
0xed: {  	[timem:s3], [sflag:s2] =	dma.local @!p0 [hbm:s0], s1  }
0xee: {  	s0 =	simm.s32 @!p0 $0x1  }
0xef: {  	_ =	swait.ge @!p0 [sflag:s0], s1  }
0xf0: {  	s1 =	ssub.s32 @!p0 $0x0, s1;
	[sflag:s0] =	ssyncset.done @!p0 $0x0  }
0xf1: {  	[sflag:s0] =	ssyncadd.s32 @!p0 s1  }
0xf2: {  	[bflag:$0x3] =	sbarrier.arrive $0xFFFF  }
0xf3: {  	_ =	shalt  }

// kernel: kernel.8.cloned.1.call-start
scs
__scs_entry_jumppad:
0x0: {  	(pc) =	sbr.rel $0x88, $3  }
0x1: {  	(tag) =	ssettag $0x0;
	lr =	simm.s32 $0x1  }
0x2: {  	[smem:$0x3F98] =	sst lr;
	_ =	strace $0xD0000000  }
0x3: {  	_ = 	snop  }
0x4: {  	_ = 	snop  }
0x5: {  	_ = 	snop  }
0x6: {  	_ = 	snop  }
0x7: {  	_ = 	snop  }
__scs_overlays_trampoline_lowered:
0x8: {  	[smem:$0x3FA7] =	sst s0  }
0x9: {  	[smem:$0x3FA8] =	sst s1  }
0xa: {  	[smem:$0x3FA9] =	sst s2  }
0xb: {  	[smem:$0x3FAA] =	sst s3  }
0xc: {  	[smem:$0x3FAB] =	sst s4  }
0xd: {  	[smem:$0x3FAC] =	sst s5  }
0xe: {  	[smem:$0x3FAD] =	sst s6  }
0xf: {  	[smem:$0x3FAE] =	sst s7  }
0x10: {  	[smem:$0x3FAF] =	sst s8  }
0x11: {  	[smem:$0x3FB0] =	sst s9;
	s0 =	simm.s32 @!p0 $0x0  }
0x12: {  	s1 =	sld [smem:$0x3F96];
	s0 =	simm.s32 @p0 $0x1  }
0x13: {  	[smem:$0x3FB1] =	sst s0;
	s0 =	simm.s32 @!p1 $0x0  }
0x14: {  	s2 =	sld [smem:$0x3F95];
	s0 =	simm.s32 @p1 $0x1  }
0x15: {  	[smem:$0x3FB2] =	sst s0;
	s0 =	simm.s32 @!p2 $0x0  }
0x16: {  	s3 =	sld [smem:$0x3FDB];
	s0 =	simm.s32 @p2 $0x1  }
0x17: {  	s4 =	simm.s32 $0x1BF5;
	[smem:$0x3FB4] =	sst s0  }
0x18: {  	s0 =	sld [smem:$0x3F97];
	_ =	swait.ge [sflag:s4], $0x0  }
0x19: {  	s7 =	sld [smem:$0x3F98]  }
0x1a: {  	s8 =	sadd.s32 $0xFFFFE003, lr  }
0x1b: {  	s9 =	sadd.s32 $0xFFFFFEF7, lr;
	s5 =	simm.s32 $0xFFFFFFFF;
	p2 =	slt.u32 s8, $0xFFFFF086  }
0x1c: {  	p1 =	slt.u32 s9, $0xF7A;
	s5 =	simm.s32 @!p2 $0x0  }
0x1d: {  	s5 =	simm.s32 @p1 $0x1;
	p0 =	seq.s32 s7, s2  }
0x1e: {  	s7 =	smul.u32 @!p0 $0xF7A, s2;
	p2 =	seq.s32 @!p0 s5, $0x0  }
0x1f: {  	s9 =	smul.u32 $0xF7A, s1;
	s8 =	simm.s32 @!p0 $0x1BF5;
	p2 =	por !p2, p0  }
0x20: {  	[sflag:s8] =	ssyncset.s32 @!p0 $0xFFFFF086;
	s6 =	sadd.s32 @!p0 s3, s7;
	s7 =	simm.s32 @!p0 $0x108  }
0x21: {  	s3 =	sadd.s32 s3, s9;
	s6 =	sadd.s32 @!p0 $0x88, s6;
	s7 =	simm.s32 @p2 $0x1082  }
0x22: {  	[simem:s7], [sflag:s8] =	dma.local @!p0 [hbm:s6], $0xF7A  }
0x23: {  	s9 =	sor.u32 $0xD0000000, s2;
	s6 =	simm.s32 $0x108;
	_ =	swait.ge @!p0 [sflag:s8], $0x0  }
0x24: {  	s3 =	sadd.s32 $0x88, s3;
	s6 =	simm.s32 @!p1 $0x1082;
	[sflag:s4] =	ssyncset.s32 $0xFFFFF086  }
0x25: {  	[simem:s6], [sflag:s4] =	dma.local [hbm:s3], $0xF7A  }
0x26: {  	[smem:$0x3F98] =	sst s1;
	(tag) =	ssettag s2;
	_ =	strace s9  }
0x27: {  	s1 =	sld [smem:$0x3FA8]  }
0x28: {  	s2 =	sld [smem:$0x3FA9]  }
0x29: {  	s4 =	sld [smem:$0x3FAB]  }
0x2a: {  	p0 =	seq.s32 s5, $0x0;
	s5 =	sld [smem:$0x3FAC]  }
0x2b: {  	s6 =	sld [smem:$0x3FAD]  }
0x2c: {  	s7 =	sld [smem:$0x3FAE]  }
0x2d: {  	s3 =	simm.s32 $0x108;
	s8 =	sld [smem:$0x3FAF]  }
0x2e: {  	s3 =	simm.s32 @!p0 $0x1082;
	s9 =	sld [smem:$0x3FB0]  }
0x2f: {  	lr =	sadd.s32 s0, s3;
	s0 =	sld [smem:$0x3FA7]  }
0x30: {  	s3 =	sld [smem:$0x3FAA]  }
0x31: {  	[smem:$0x3FB3] =	sst s10  }
0x32: {  	s10 =	sld [smem:$0x3FB1];
	_ =	sdelay $0x3  }
0x33: {  	p0 =	seq.s32 s10, $0x1;
	s10 =	sld [smem:$0x3FB3];
	_ =	sdelay $0x3  }
0x34: {  	[smem:$0x3FB3] =	sst s10  }
0x35: {  	s10 =	sld [smem:$0x3FB2];
	_ =	sdelay $0x3  }
0x36: {  	p1 =	seq.s32 s10, $0x1;
	s10 =	sld [smem:$0x3FB3];
	_ =	sdelay $0x3  }
0x37: {  	[smem:$0x3FB3] =	sst s10  }
0x38: {  	s10 =	sld [smem:$0x3FB4]  }
0x39: {  	_ = 	snop;
	(pc) =	sbr.ind lr, $3  }
0x3a: {  	_ = 	snop  }
0x3b: {  	_ = 	snop  }
0x3c: {  	p2 =	seq.s32 s10, $0x1;
	s10 =	sld [smem:$0x3FB3]  }
0x3d: {  	_ =	shalt  }
0x3e: {  	_ =	shalt  }
0x3f: {  	_ =	shalt  }
0x40: {  	_ =	shalt  }
0x41: {  	_ =	shalt  }
0x42: {  	_ =	shalt  }
0x43: {  	_ =	shalt  }
0x44: {  	_ =	shalt  }
0x45: {  	_ =	shalt  }
0x46: {  	_ =	shalt  }
0x47: {  	_ =	shalt  }
0x48: {  	_ =	shalt  }
0x49: {  	_ =	shalt  }
0x4a: {  	_ =	shalt  }
0x4b: {  	_ =	shalt  }
0x4c: {  	_ =	shalt  }
0x4d: {  	_ =	shalt  }
0x4e: {  	_ =	shalt  }
0x4f: {  	_ =	shalt  }
0x50: {  	_ =	shalt  }
0x51: {  	_ =	shalt  }
0x52: {  	_ =	shalt  }
0x53: {  	_ =	shalt  }
0x54: {  	_ =	shalt  }
0x55: {  	_ =	shalt  }
0x56: {  	_ =	shalt  }
0x57: {  	_ =	shalt  }
0x58: {  	_ =	shalt  }
0x59: {  	_ =	shalt  }
0x5a: {  	_ =	shalt  }
0x5b: {  	_ =	shalt  }
0x5c: {  	_ =	shalt  }
0x5d: {  	_ =	shalt  }
0x5e: {  	_ =	shalt  }
0x5f: {  	_ =	shalt  }
0x60: {  	_ =	shalt  }
0x61: {  	_ =	shalt  }
0x62: {  	_ =	shalt  }
0x63: {  	_ =	shalt  }
0x64: {  	_ =	shalt  }
0x65: {  	_ =	shalt  }
0x66: {  	_ =	shalt  }
0x67: {  	_ =	shalt  }
0x68: {  	_ =	shalt  }
0x69: {  	_ =	shalt  }
0x6a: {  	_ =	shalt  }
0x6b: {  	_ =	shalt  }
0x6c: {  	_ =	shalt  }
0x6d: {  	_ =	shalt  }
0x6e: {  	_ =	shalt  }
0x6f: {  	_ =	shalt  }
0x70: {  	_ =	shalt  }
0x71: {  	_ =	shalt  }
0x72: {  	_ =	shalt  }
0x73: {  	_ =	shalt  }
0x74: {  	_ =	shalt  }
0x75: {  	_ =	shalt  }
0x76: {  	_ =	shalt  }
0x77: {  	_ =	shalt  }
0x78: {  	_ =	shalt  }
0x79: {  	_ =	shalt  }
0x7a: {  	_ =	shalt  }
0x7b: {  	_ =	shalt  }
0x7c: {  	_ =	shalt  }
0x7d: {  	_ =	shalt  }
0x7e: {  	_ =	shalt  }
0x7f: {  	_ =	shalt  }
0x80: {  	_ =	shalt  }
0x81: {  	_ =	shalt  }
0x82: {  	_ =	shalt  }
0x83: {  	_ =	shalt  }
0x84: {  	_ =	shalt  }
0x85: {  	_ =	shalt  }
0x86: {  	_ =	shalt  }
0x87: {  	_ =	shalt  }
.Lfunc_end0:
.L_simem_size_0:
called_computation.1_lowered:
.L_overlay_start_0:
0x88: {  	s2 =	sld [smem:$0x3FD9]  }
0x89: {  	s3 =	sld [smem:$0x3FFE];
	_ =	sdelay $0x1  }
0x8a: {  	s1 =	srdreg.scid  }
0x8b: {  	s0 =	sand.u32 $0x1, s1  }
0x8c: {  	s17 =	sshll.u32 s0, $0xA;
	s2 =	sadd.s32 s3, s2  }
0x8d: {  	s2 =	sadd.s32 s2, s17  }
0x8e: {  	[smem:$0x3FBF] =	sst s2  }
0x8f: {  	_ = 	snop  }
0x90: {  	(tm) =	ssettm $0x1  }
0x91: {  	s18 =	sld [smem:$0x3FFB];
	_ =	sdelay $0x3  }
0x92: {  	_ =	strace s18  }
0x93: {  	s2 =	sld [smem:$0x3FFC];
	_ =	sdelay $0x3  }
0x94: {  	_ =	strace s2  }
0x95: {  	s2 =	sld [smem:$0x3FFD];
	_ =	sdelay $0x3  }
0x96: {  	_ =	strace s2  }
0x97: {  	_ =	strace $0x8FFFFFFF  }
0x98: {  	s19 =	sld [smem:$0x3FDB];
	_ =	sdelay $0x1  }
0x99: {  	s20 =	simm.s32 $_scs_section_size  }
0x9a: {  	s4 =	simm.s32 $_size__tile_overlayer_lowered;
	s5 =	simm.s32 $_tile_overlayer_lowered  }
0x9b: {  	s6 =	simm.s32 $0x1BFF;
	s21 =	sshll.u32 s5, $0x1;
	s3 =	sadd.s32 s20, s19  }
0x9c: {  	s22 =	simm.s32 $0x0;
	s4 =	sshll.u32 s4, $0x1;
	s5 =	sadd.s32 s21, s3  }
0x9d: {  	[timem:s22], [sflag:s6] =	dma.local [hbm:s5], s4  }
0x9e: {  	_ =	swait.ge [sflag:s6], s4  }
0x9f: {  	s4 =	ssub.s32 $0x0, s4;
	[sflag:s6] =	ssyncset.done $0x0  }
0xa0: {  	[sflag:s6] =	ssyncadd.s32 s4;
	_ =	sdelay $0x1  }
0xa1: {  	s23 =	simm.s32 $0x1B8B  }
0xa2: {  	_ =	swait.ge [sflag:s23], $0x1  }
0xa3: {  	[sflag:s23] =	ssyncset.done $0x0  }
0xa4: {  	[sflag:s23] =	ssyncadd.s32 $0xFFFFFFFF  }
0xa5: {  	s4 =	sld [smem:$0x0]  }
0xa6: {  	s5 =	sand.u32 $0xFFFFFFFE, s1  }
0xa7: {  	p0 =	sne.s32 s1, s5  }
0xa8: {  	s5 =	sshll.u32 @p0 s5, $0xE  }
0xa9: {  	s5 =	sadd.s32 @p0 $0x11B8D, s5;
	s6 =	sshll.u32 @p0 s4, $0x11  }
0xaa: {  	s5 =	sor.u32 @p0 s6, s5  }
0xab: {  	[sflag:s5] =	ssyncadd.remote.s32 @p0 $0x1;
	_ =	sdelay $0x1  }
0xac: {  	s5 =	simm.s32 @p0 $0x1B8D  }
0xad: {  	_ =	swait.eq @p0 [sflag:s5], $0x1  }
0xae: {  	[sflag:s5] =	ssyncadd.s32 @p0 $0xFFFFFFFF  }
0xaf: {  	s6 =	sshll.u32 @!p0 s1, $0xE  }
0xb0: {  	s6 =	sor.u32 @!p0 $0x4000, s6;
	s5 =	simm.s32 @!p0 $0x1B8D  }
0xb1: {  	s4 =	sshll.u32 @!p0 s4, $0x11;
	s6 =	sadd.s32 @!p0 $0x11B8D, s6;
	_ =	swait.eq @!p0 [sflag:s5], $0x1  }
0xb2: {  	s4 =	sor.u32 @!p0 s4, s6;
	[sflag:s5] =	ssyncadd.s32 @!p0 $0xFFFFFFFF  }
0xb3: {  	s25 =	simm.s32 $0x1B8E;
	s24 =	sld [smem:$0x3FFE];
	[sflag:s4] =	ssyncadd.remote.s32 @!p0 $0x1  }
0xb4: {  	s26 =	simm.s32 $execute0_lowered;
	[smem:$0x3FD2] =	sst s25  }
0xb5: {  	s5 =	sshll.u32 s26, $0x1;
	_ =	strace $0x80000052;
	[dreg:$0x1] =	wrdreg $0xFFFFFFFF  }
0xb6: {  	s28 =	simm.s32 $_size_execute0_lowered;
	s3 =	sadd.s32 s3, s5;
	[dreg:$0x0] =	wrdreg $0x0  }
0xb7: {  	s5 =	sshll.u32 s28, $0x1;
	[dreg:$0x2] =	wrdreg s3  }
0xb8: {  	[dreg:$0x3] =	wrdreg s5  }
0xb9: {  	[dreg:$0x4] =	wrdreg $0xC0  }
0xba: {  	_ =	task [dreg:s22], $0x5FFFF  }
0xbb: {  	[dreg:$0x1] =	wrdreg $0xFFFFFFFF  }
0xbc: {  	[dreg:$0x0] =	wrdreg $0x60  }
0xbd: {  	[dreg:$0x2] =	wrdreg s24  }
0xbe: {  	[dreg:$0x3] =	wrdreg $0xA  }
0xbf: {  	_ =	task.clear_ibuf [dreg:s22], $0x4FFFF;
	_ =	strace $0x90000052  }
0xc0: {  	s29 =	simm.s32 $0xA;
	_ =	strace $0x80000054  }
0xc1: {  	_ =	swait.ge [sflag:s29], $0x1  }
0xc2: {  	[sflag:s29] =	ssyncadd.s32 $0xFFFFFFFF  }
0xc3: {  	_ =	strace $0x90000054  }
0xc4: {  	_ =	sfence  }
0xc5: {  	s30 =	sld [smem:$0x0];
	_ =	sdelay $0x2  }
0xc6: {  	s31 =	sshll.u32 s1, $0xD;
	s1 =	sshrl.u32 s1, $0x2  }
0xc7: {  	s4 =	sand.u32 $0x4000, s31;
	s1 =	sadd.s32 s1, s30  }
0xc8: {  	s0 =	sor.u32 s4, s0;
	s1 =	sshll.u32 s1, $0x11  }
0xc9: {  	s0 =	sor.u32 s1, s0  }
0xca: {  	s0 =	sadd.s32 $0x8F2B, s0  }
0xcb: {  	[sflag:s0] =	ssyncadd.remote.s32 $0x1  }
0xcc: {  	_ =	sfence.sel $0xFFFF  }
0xcd: {  	[dreg:$0x0] =	wrdreg $0xFFFFFFFF;
	(pc) =	sbr.abs _section_cstart, $3  }
0xce: {  	[dreg:$0x1] =	wrdreg $0xFFFFFFFF  }
0xcf: {  	_ =	task.clear_ibuf [dreg:s22], $0x2FFFF;
	_ =	strace $0x9FFFFFFF  }
0xd0: {  	(tm) =	ssettm $0x7FFFFFFF  }
0xd1: {  	_ =	shalt  }
tec
execute0_lowered:
.L_overlay_start_1:
0x0: {  	(tag) =	ssettag $0x1  }
0x1: {  	s0 =	srdreg.scid  }
0x2: {  	s3 =	sand.u32 $0x1, s0  }
0x3: {  	s1 =	stileid.u32;
	s5 =	sshll.u32 s3, $0x4  }
0x4: {  	s5 =	sor.u32 s1, s5  }
0x5: {  	p0 =	sgt.u32 s5, $0x19  }
.Ltmp0:
0x6: {  	_ = 	snop;
	(pc) =	sbr.rel @p0 .LBB2_7-.Ltmp0, $4  }
0x7: {  	_ = 	snop  }
0x8: {  	s4 =	rddreg [dreg:$0x0];
	s2 =	simm.s32 $0x0  }
0x9: {  	[smem:$0x7FF] =	sst s2  }
0xa: {  	s0 =	rddreg [dreg:$0x1];
	_ =	strace $0x80000053  }
0xb: {  	s6 =	sadd.s32 $0xEAE00, s4;
	s7 =	ssub.s32 $0x2, s3;
	s3 =	sadd.s32 $0x13A400, s4  }
0xc: {  	s9 =	smul.u32 $0x30D4, s5;
	s4 =	sadd.s32 $0x147400, s4;
	s5 =	sshll.u32 s5, $0xB  }
0xd: {  	s10 =	simm.s32 $0x18F00;
	s11 =	simm.s32 $0x0;
	s8 =	sshrl.u32 s7, $0x1  }
0xe: {  	s12 =	simm.s32 $0x0;
	s7 =	ssub.s32 s7, s8;
	s6 =	sadd.s32 s6, s9  }
0xf: {  	s8 =	simm.s32 $0x1;
	s9 =	simm.s32 $0x18700;
	s7 =	smax.u32 s7, $0x1  }
.LBB2_2:
0x10: {  	[tilespmem:s12], [sflag:$0x1] =	stream.linear.gather [hbm4b:s6+s12], $0x186A0, $0x38;
	[tilespmem:$0x19700] =	vst v63  }
0x11: {  	_ =	swait.ge [sflag:s8], $0x186A0  }
0x12: {  	[sflag:s8] =	ssyncset.done $0x0  }
0x13: {  	s13 =	simm.s32 $0x0;
	[sflag:s8] =	ssyncadd.s32 $0xFFFE7960  }
.LBB2_3:
0x14: {  	s14 =	sshll.u32 s13, $0x8  }
0x15: {  	s14 =	sadd.s32 s5, s14  }
0x16: {  	s15 =	sadd.s32 s3, s14  }
0x17: {  	[tilespmem:s9], [sflag:$0x1] =	stream.linear.gather [hbm4b:s15+s12], $0x800, $0x38;
	[tilespmem:$0x19700] =	vst v63  }
0x18: {  	_ =	swait.ge [sflag:s8], $0x800  }
0x19: {  	[sflag:s8] =	ssyncset.done $0x0  }
0x1a: {  	s15 =	simm.s32 $0x0;
	[sflag:s8] =	ssyncadd.s32 $0xFFFFF800  }
0x1b: {  	v0 =	vld [tilespmem:s15+$0x18700];
	_ =	sdelay $0x7  }
0x1c: {  	s16 =	simm.s32 $0x10;
	s17 =	simm.s32 $0x80;
	v0 =	vld.idx.msk [tilespmem:v0+s2+$0x0], $0xffff  }
.LBB2_4:
0x1d: {  	p0 =	sne.s32 s17, $0x1FC0;
	v1 =	vld [tilespmem:s16+$0x18700];
	_ =	sdelay $0x3  }
.Ltmp1:
0x1e: {  	(pc) =	sbr.rel @p0 .LBB2_4-.Ltmp1, $2  }
0x1f: {  	[tilespmem:s15+$0x18F00] =	vst v0;
	s15 =	smov.u32 s16;
	_ =	sdelay $0x2  }
0x20: {  	s16 =	sshra.s32 s17, $0x2;
	s17 =	sadd.s32 $0x40, s17;
	v0 =	vld.idx.msk [tilespmem:v1+s2+$0x0], $0xffff  }
0x21: {  	v1 =	vld [tilespmem:s16+$0x18700];
	_ =	sdelay $0x6  }
0x22: {  	[tilespmem:s15+$0x18F00] =	vst v0  }
0x23: {  	v0 =	vld.idx.msk [tilespmem:v1+s2+$0x0], $0xffff;
	_ =	sdelay $0x2  }
0x24: {  	s13 =	sadd.s32 $0x1, s13  }
0x25: {  	p0 =	sne.s32 s13, $0x8  }
.Ltmp2:
0x26: {  	s14 =	sadd.s32 s4, s14;
	[tilespmem:s16+$0x18F00] =	vst v0;
	(pc) =	sbr.rel @p0 .LBB2_3-.Ltmp2, $4  }
0x27: {  	[hbm4b:s14+s2] =	stream.linear.scatter [tilespmem:s10], [sflag:$0x1], $0x800, $0x38;
	[tilespmem:$0x19700] =	vst v63  }
0x28: {  	_ =	swait.ge [sflag:s8], $0x800  }
0x29: {  	[sflag:s8] =	ssyncset.done $0x0  }
0x2a: {  	[sflag:s8] =	ssyncadd.s32 $0xFFFFF800  }
0x2b: {  	s11 =	sadd.s32 $0x1, s11  }
0x2c: {  	p0 =	sne.s32 s11, s7  }
.Ltmp3:
0x2d: {  	_ = 	snop;
	(pc) =	sbr.rel @p0 .LBB2_2-.Ltmp3, $1  }
0x2e: {  	_ =	sdelay $0x3  }
.LBB2_7:
0x2f: {  	_ =	sfence.sel $0x180000  }
0x30: {  	[bflag:$0x0] =	sbarrier.arrive $0xFFFF  }
0x31: {  	p0 =	sne.s32 s1, $0x0;
	_ =	strace $0x90000053  }
0x32: {  	s0 =	sadd.s32 @!p0 $0x100000, s0;
	[bflag:$0x2] =	sbarrier.arrive $0xFFFF  }
0x33: {  	[sflag:s0] =	ssyncadd.tile.s32 @!p0 $0x1;
	_ =	shalt  }
.Lfunc_end2:
_tile_overlayer_lowered:
.L_overlay_start_2:
0x34: {  	(tag) =	ssettag $0x2  }
0x35: {  	s0 =	rddreg [dreg:$0x0];
	s2 =	stileid.u32  }
0x36: {  	s1 =	rddreg [dreg:$0x1];
	p0 =	sne.s32 s2, $0x0  }
0x37: {  	s3 =	rddreg [dreg:$0x2];
	[bflag:$0x3] =	sbarrier.arrive $0xFFFF;
	s2 =	simm.s32 @!p0 $0x1C01  }
0x38: {  	[timem:s3], [sflag:s2] =	dma.local @!p0 [hbm:s0], s1  }
0x39: {  	s0 =	simm.s32 @!p0 $0x1  }
0x3a: {  	_ =	swait.ge @!p0 [sflag:s0], s1  }
0x3b: {  	s1 =	ssub.s32 @!p0 $0x0, s1;
	[sflag:s0] =	ssyncset.done @!p0 $0x0  }
0x3c: {  	[sflag:s0] =	ssyncadd.s32 @!p0 s1  }
0x3d: {  	[bflag:$0x3] =	sbarrier.arrive $0xFFFF  }
0x3e: {  	_ =	shalt  }

</sc_bundles>
